<compile_context>
chip_gen: v7x
topology: tpu7x:2x2x1
jax: 0.10.2.dev20260603
libtpu: 0.0.44.dev20260713+nightly
codegen_flags: <defaults>
</compile_context>

<pallas_src>
import functools

import jax
import jax.numpy as jnp
from jax import lax
from jax.experimental import pallas as pl
from jax.experimental.pallas import tpu as pltpu
from jax.experimental.pallas import tpu_sc as plsc

K = 3
R = 256
CHUNK = 128


def _topk_kernel(x_ref, xt_ref, wt_ref, idx_ref, yt_ref, *, n_tokens):
    xb = x_ref[0]
    C, N = xb.shape
    nsq = jnp.sum(xb * xb, axis=0, keepdims=True)
    xt = xt_ref[0]
    nsq_t = jnp.sum(xt * xt, axis=0, keepdims=True)

    dot = jax.lax.dot_general(
        xt, xb, (((0,), (0,)), ((), ())),
        preferred_element_type=jnp.float32,
        precision=jax.lax.Precision.DEFAULT)
    d = jnp.maximum(nsq_t.T + nsq - 2.0 * dot, 0.0)

    iota_r = jax.lax.broadcasted_iota(jnp.int32, (R, N), 1)
    b = pl.program_id(0)
    dk = d
    for k in range(K):
        mval = jnp.min(dk, axis=1, keepdims=True)
        jidx = jnp.min(jnp.where(dk == mval, iota_r, n_tokens),
                       axis=1, keepdims=True)
        if k < K - 1:
            dk = jnp.where(iota_r == jidx, jnp.inf, dk)
        idx_ref[0, k] = (jidx + (b * K + k) * n_tokens).reshape(R)
        yt_ref[0, k] = jax.lax.dot_general(
            xt, wt_ref[k], (((0,), (1,)), ((), ())),
            preferred_element_type=jnp.float32,
            precision=jax.lax.Precision.DEFAULT)


CP = 128


def _make_sc_gather(B, N, C):
    n_tok = B * N
    info = plsc.get_sparse_core_info()
    NC, NS = info.num_cores, info.num_subcores
    NW = NC * NS
    per_w = n_tok // NW
    n_rounds = per_w // CHUNK

    @functools.partial(
        pl.kernel,
        out_type=jax.ShapeDtypeStruct((n_tok, C), jnp.float32),
        mesh=plsc.VectorSubcoreMesh(core_axis_name="c", subcore_axis_name="s"),
        scratch_types=[
            pltpu.VMEM((CHUNK,), jnp.int32),
            pltpu.VMEM((CHUNK,), jnp.int32),
            pltpu.VMEM((CHUNK,), jnp.int32),
            pltpu.VMEM((CHUNK, CP), jnp.float32),
            pltpu.VMEM((CHUNK, CP), jnp.float32),
            pltpu.VMEM((CHUNK, CP), jnp.float32),
            pltpu.VMEM((CHUNK, C), jnp.float32),
            pltpu.VMEM((C,), jnp.float32),
            pltpu.SemaphoreType.DMA,
            pltpu.SemaphoreType.DMA,
            pltpu.SemaphoreType.DMA,
        ],
    )
    def sc_gather(ytab_hbm, idx_hbm, bias_hbm, out_hbm,
                  i0, i1, i2, r0, r1, r2, ov, bv, s0, s1, s2):
        wid = lax.axis_index("s") * NC + lax.axis_index("c")
        base = wid * per_w
        pltpu.sync_copy(bias_hbm, bv)
        idx_refs = (i0, i1, i2)
        row_refs = (r0, r1, r2)
        sems = (s0, s1, s2)
        for c in range(n_rounds):
            t0 = base + c * CHUNK
            copies = []
            for k in range(K):
                pltpu.sync_copy(idx_hbm.at[pl.ds(k * n_tok + t0, CHUNK)],
                                idx_refs[k])
                copies.append(pltpu.async_copy(ytab_hbm.at[idx_refs[k]],
                                               row_refs[k], sems[k]))
            for cp in copies:
                cp.wait()

            def body(t, carry):
                for cc in range(C // 16):
                    sl = pl.ds(cc * 16, 16)
                    v = r0[t, sl] + r1[t, sl] + r2[t, sl] + bv[sl]
                    ov[t, sl] = jnp.maximum(v, 0.0)
                return carry

            lax.fori_loop(0, CHUNK, body, 0)
            pltpu.sync_copy(ov, out_hbm.at[pl.ds(t0, CHUNK)])

    return sc_gather


def kernel(x, W, b):
    B, C, H, Wd = x.shape
    N = H * Wd
    x1 = x.reshape(B, C, N)
    Wt = jnp.transpose(W, (2, 0, 1))
    Wtp = jnp.zeros((K, CP, C), jnp.float32).at[:, :C, :].set(Wt)

    idx, yt = pl.pallas_call(
        functools.partial(_topk_kernel, n_tokens=N),
        grid=(B, N // R),
        in_specs=[
            pl.BlockSpec((1, C, N), lambda bb, ii: (bb, 0, 0)),
            pl.BlockSpec((1, C, R), lambda bb, ii: (bb, 0, ii)),
            pl.BlockSpec((K, CP, C), lambda bb, ii: (0, 0, 0)),
        ],
        out_specs=[
            pl.BlockSpec((1, K, R), lambda bb, ii: (bb, 0, ii)),
            pl.BlockSpec((1, K, R, CP), lambda bb, ii: (bb, 0, ii, 0)),
        ],
        out_shape=[
            jax.ShapeDtypeStruct((B, K, N), jnp.int32),
            jax.ShapeDtypeStruct((B, K, N, CP), jnp.float32),
        ],
    )(x1, x1, Wtp)

    ytab = yt.reshape(B * K * N, CP)
    idxf = jnp.transpose(idx, (1, 0, 2)).reshape(K * B * N)
    outf = _make_sc_gather(B, N, C)(ytab, idxf, b)
    return jnp.transpose(outf.reshape(B, H, Wd, C), (0, 3, 1, 2))

# --- scband reference (transcript-rebuilt; emitter-appended) ---
"""Pipeline reference for scband-conv2d-nn-7559142441290 (READ-ONLY COPY).

The authoritative reference and input builder live on the scoring server;
editing this copy changes nothing except your own understanding.
"""

import jax, jax.numpy as jnp
import numpy as np

K = 3
STRIDE = 3

def setup_inputs(seed: int = 0) -> dict:
    key = jax.random.key(seed)
    k1, k2, k3 = jax.random.split(key, 3)
    x = jax.random.normal(k1, (4, 96, 64, 64), dtype=jnp.float32)
    W = jax.random.normal(k2, (96, 96, K), dtype=jnp.float32) * 0.05
    b = jax.random.normal(k3, (96,), dtype=jnp.float32) * 0.05
    return {"x": x, "W": W, "b": b}

def _forward(x, W, b):
    B, C, H, Wd = x.shape
    N = H * Wd
    # Conv2d_NN: flatten spatial dims into a token axis and run Conv1d_NN ('all' samples path)
    x1 = x.reshape(B, C, N)
    # calculate_distance_matrix
    norm_sq = jnp.sum(x1 ** 2, axis=1, keepdims=True)            # [B,1,N]
    dot = jnp.einsum('bcn,bcm->bnm', x1, x1)                      # [B,N,N]
    dist = norm_sq.transpose(0, 2, 1) + norm_sq - 2.0 * dot       # [B,N,N]
    dist = jnp.sqrt(jnp.maximum(dist, 0.0))
    # prime_vmap_2d / process_batch: top-K smallest distances per token (maximum=False)
    _, ind = jax.lax.top_k(-dist, K)                              # [B,N,K]
    neigh = jax.vmap(lambda m, i: m[:, i])(x1, ind)               # [B,C,N,K] gather
    prime = neigh.reshape(B, C, N * K)                            # flatten start_dim=1
    # Conv1d(in=C, out=C, kernel=K, stride=K) + ReLU
    out = jax.lax.conv_general_dilated(
        prime, W, window_strides=(STRIDE,), padding='VALID',
        dimension_numbers=('NCH', 'OIH', 'NCH'))
    out = out + b[None, :, None]
    out = jax.nn.relu(out)
    out = out.reshape(B, W.shape[0], H, Wd)
    return out

def reference(x, W, b):
    return _forward(x, W, b)

if __name__ == "__main__":
    import jax
    _d = setup_inputs()
    print(jax.jit(kernel)(*tuple(_d.values())))

</pallas_src>

<mosaic_0001>
#map = affine_map<(d0, d1) -> (0, 0)>
#map1 = affine_map<(d0, d1) -> (0)>
module attributes {stable_mosaic.version = 14 : i64} {
  func.func @sc_gather(%arg0: i32, %arg1: i32, %arg2: memref<49152x128xf32, #tpu.memory_space<hbm>>, %arg3: memref<49152xi32, #tpu.memory_space<hbm>>, %arg4: memref<96xf32, #tpu.memory_space<hbm>>, %arg5: memref<16384x96xf32, #tpu.memory_space<hbm>>, %arg6: memref<128xi32, #tpu.memory_space<vmem>>, %arg7: memref<128xi32, #tpu.memory_space<vmem>>, %arg8: memref<128xi32, #tpu.memory_space<vmem>>, %arg9: memref<128x128xf32, #tpu.memory_space<vmem>>, %arg10: memref<128x128xf32, #tpu.memory_space<vmem>>, %arg11: memref<128x128xf32, #tpu.memory_space<vmem>>, %arg12: memref<128x96xf32, #tpu.memory_space<vmem>>, %arg13: memref<96xf32, #tpu.memory_space<vmem>>, %arg14: memref<!tpu.dma_semaphore, #tpu.memory_space<semaphore_mem>>, %arg15: memref<!tpu.dma_semaphore, #tpu.memory_space<semaphore_mem>>, %arg16: memref<!tpu.dma_semaphore, #tpu.memory_space<semaphore_mem>>) attributes {dimension_semantics = [#tpu.dimension_semantics<core_parallel>, #tpu.dimension_semantics<subcore_parallel>], iteration_bounds = array<i64: 2, 16>, scalar_prefetch = 0 : i64, scratch_operands = 11 : i64, tpu.core_type = #tpu.core_type<sc_vector_subcore>, window_params = [{transform_indices = #map}, {transform_indices = #map1}, {transform_indices = #map1}, {transform_indices = #map}]} {
    %mul3A = arith.constant 2 : i32
    %mul3A_0 = arith.muli %arg1, %mul3A : i32
    %add3A = arith.addi %mul3A_0, %arg0 : i32
    %mul3A_1 = arith.constant 512 : i32
    %mul3A_2 = arith.muli %add3A, %mul3A_1 : i32
    "tpu.region"() ({
      %run_scoped3A = tpu.sem_alloc : memref<!tpu.dma_semaphore, #tpu.memory_space<semaphore_mem>>
      tpu.enqueue_dma source(%arg4 : memref<96xf32, #tpu.memory_space<hbm>>) target(%arg13 : memref<96xf32, #tpu.memory_space<vmem>>) target_semaphore(%run_scoped3A : memref<!tpu.dma_semaphore, #tpu.memory_space<semaphore_mem>>)
      tpu.wait_dma2 semaphore(%run_scoped3A : memref<!tpu.dma_semaphore, #tpu.memory_space<semaphore_mem>>) src(%arg4 : memref<96xf32, #tpu.memory_space<hbm>>) dst(%arg13 : memref<96xf32, #tpu.memory_space<vmem>>)
      tpu.yield
    }) : () -> ()
    %add3A_3 = arith.constant 0 : i32
    %add3A_4 = arith.addi %mul3A_2, %add3A_3 : i32
    %add3A_5 = arith.constant 0 : i32
    %add3A_6 = arith.addi %add3A_5, %add3A_4 : i32
    "tpu.region"() ({
      %run_scoped3A = tpu.sem_alloc : memref<!tpu.dma_semaphore, #tpu.memory_space<semaphore_mem>>
      %dma_start3A_128 = tpu.memref_slice %arg3[%add3A_6] : memref<49152xi32, #tpu.memory_space<hbm>> -> memref<128xi32, #tpu.memory_space<hbm>>
      %dma_start3A_129 = tpu.memref_slice %arg3[%add3A_6] : memref<49152xi32, #tpu.memory_space<hbm>> -> memref<128xi32, #tpu.memory_space<hbm>>
      tpu.enqueue_dma source(%dma_start3A_129 : memref<128xi32, #tpu.memory_space<hbm>>) target(%arg6 : memref<128xi32, #tpu.memory_space<vmem>>) target_semaphore(%run_scoped3A : memref<!tpu.dma_semaphore, #tpu.memory_space<semaphore_mem>>)
      %dma_wait3A_130 = tpu.memref_slice %arg3[%add3A_6] : memref<49152xi32, #tpu.memory_space<hbm>> -> memref<128xi32, #tpu.memory_space<hbm>>
      %dma_wait3A_131 = tpu.memref_slice %arg3[%add3A_6] : memref<49152xi32, #tpu.memory_space<hbm>> -> memref<128xi32, #tpu.memory_space<hbm>>
      tpu.wait_dma2 semaphore(%run_scoped3A : memref<!tpu.dma_semaphore, #tpu.memory_space<semaphore_mem>>) src(%dma_wait3A_131 : memref<128xi32, #tpu.memory_space<hbm>>) dst(%arg6 : memref<128xi32, #tpu.memory_space<vmem>>)
      tpu.yield
    }) : () -> ()
    %dma_start3A = arith.constant 0 : i32
    %dma_start3A_7 = arith.constant 0 : i32
    %dma_start3A_8 = tpu.memref_slice %arg2[%dma_start3A, %dma_start3A_7] : memref<49152x128xf32, #tpu.memory_space<hbm>> -> memref<49152x128xf32, #tpu.memory_space<hbm>>
    tpu.enqueue_indirect_dma source(%dma_start3A_8 : memref<49152x128xf32, #tpu.memory_space<hbm>>) target(%arg9 : memref<128x128xf32, #tpu.memory_space<vmem>>) offsets(%arg6 : memref<128xi32, #tpu.memory_space<vmem>>) semaphore(%arg14 : memref<!tpu.dma_semaphore, #tpu.memory_space<semaphore_mem>>)
    %add3A_9 = arith.constant 16384 : i32
    %add3A_10 = arith.addi %add3A_9, %add3A_4 : i32
    "tpu.region"() ({
      %run_scoped3A = tpu.sem_alloc : memref<!tpu.dma_semaphore, #tpu.memory_space<semaphore_mem>>
      %dma_start3A_128 = tpu.memref_slice %arg3[%add3A_10] : memref<49152xi32, #tpu.memory_space<hbm>> -> memref<128xi32, #tpu.memory_space<hbm>>
      %dma_start3A_129 = tpu.memref_slice %arg3[%add3A_10] : memref<49152xi32, #tpu.memory_space<hbm>> -> memref<128xi32, #tpu.memory_space<hbm>>
      tpu.enqueue_dma source(%dma_start3A_129 : memref<128xi32, #tpu.memory_space<hbm>>) target(%arg7 : memref<128xi32, #tpu.memory_space<vmem>>) target_semaphore(%run_scoped3A : memref<!tpu.dma_semaphore, #tpu.memory_space<semaphore_mem>>)
      %dma_wait3A_130 = tpu.memref_slice %arg3[%add3A_10] : memref<49152xi32, #tpu.memory_space<hbm>> -> memref<128xi32, #tpu.memory_space<hbm>>
      %dma_wait3A_131 = tpu.memref_slice %arg3[%add3A_10] : memref<49152xi32, #tpu.memory_space<hbm>> -> memref<128xi32, #tpu.memory_space<hbm>>
      tpu.wait_dma2 semaphore(%run_scoped3A : memref<!tpu.dma_semaphore, #tpu.memory_space<semaphore_mem>>) src(%dma_wait3A_131 : memref<128xi32, #tpu.memory_space<hbm>>) dst(%arg7 : memref<128xi32, #tpu.memory_space<vmem>>)
      tpu.yield
    }) : () -> ()
    %dma_start3A_11 = arith.constant 0 : i32
    %dma_start3A_12 = arith.constant 0 : i32
    %dma_start3A_13 = tpu.memref_slice %arg2[%dma_start3A_11, %dma_start3A_12] : memref<49152x128xf32, #tpu.memory_space<hbm>> -> memref<49152x128xf32, #tpu.memory_space<hbm>>
    tpu.enqueue_indirect_dma source(%dma_start3A_13 : memref<49152x128xf32, #tpu.memory_space<hbm>>) target(%arg10 : memref<128x128xf32, #tpu.memory_space<vmem>>) offsets(%arg7 : memref<128xi32, #tpu.memory_space<vmem>>) semaphore(%arg15 : memref<!tpu.dma_semaphore, #tpu.memory_space<semaphore_mem>>)
    %add3A_14 = arith.constant 32768 : i32
    %add3A_15 = arith.addi %add3A_14, %add3A_4 : i32
    "tpu.region"() ({
      %run_scoped3A = tpu.sem_alloc : memref<!tpu.dma_semaphore, #tpu.memory_space<semaphore_mem>>
      %dma_start3A_128 = tpu.memref_slice %arg3[%add3A_15] : memref<49152xi32, #tpu.memory_space<hbm>> -> memref<128xi32, #tpu.memory_space<hbm>>
      %dma_start3A_129 = tpu.memref_slice %arg3[%add3A_15] : memref<49152xi32, #tpu.memory_space<hbm>> -> memref<128xi32, #tpu.memory_space<hbm>>
      tpu.enqueue_dma source(%dma_start3A_129 : memref<128xi32, #tpu.memory_space<hbm>>) target(%arg8 : memref<128xi32, #tpu.memory_space<vmem>>) target_semaphore(%run_scoped3A : memref<!tpu.dma_semaphore, #tpu.memory_space<semaphore_mem>>)
      %dma_wait3A_130 = tpu.memref_slice %arg3[%add3A_15] : memref<49152xi32, #tpu.memory_space<hbm>> -> memref<128xi32, #tpu.memory_space<hbm>>
      %dma_wait3A_131 = tpu.memref_slice %arg3[%add3A_15] : memref<49152xi32, #tpu.memory_space<hbm>> -> memref<128xi32, #tpu.memory_space<hbm>>
      tpu.wait_dma2 semaphore(%run_scoped3A : memref<!tpu.dma_semaphore, #tpu.memory_space<semaphore_mem>>) src(%dma_wait3A_131 : memref<128xi32, #tpu.memory_space<hbm>>) dst(%arg8 : memref<128xi32, #tpu.memory_space<vmem>>)
      tpu.yield
    }) : () -> ()
    %dma_start3A_16 = arith.constant 0 : i32
    %dma_start3A_17 = arith.constant 0 : i32
    %dma_start3A_18 = tpu.memref_slice %arg2[%dma_start3A_16, %dma_start3A_17] : memref<49152x128xf32, #tpu.memory_space<hbm>> -> memref<49152x128xf32, #tpu.memory_space<hbm>>
    tpu.enqueue_indirect_dma source(%dma_start3A_18 : memref<49152x128xf32, #tpu.memory_space<hbm>>) target(%arg11 : memref<128x128xf32, #tpu.memory_space<vmem>>) offsets(%arg8 : memref<128xi32, #tpu.memory_space<vmem>>) semaphore(%arg16 : memref<!tpu.dma_semaphore, #tpu.memory_space<semaphore_mem>>)
    %dma_wait3A = arith.constant 0 : i32
    %dma_wait3A_19 = arith.constant 0 : i32
    %dma_wait3A_20 = tpu.memref_slice %arg2[%dma_wait3A, %dma_wait3A_19] : memref<49152x128xf32, #tpu.memory_space<hbm>> -> memref<49152x128xf32, #tpu.memory_space<hbm>>
    tpu.wait_indirect_dma semaphore(%arg14 : memref<!tpu.dma_semaphore, #tpu.memory_space<semaphore_mem>>) src(%dma_wait3A_20 : memref<49152x128xf32, #tpu.memory_space<hbm>>) dst(%arg9 : memref<128x128xf32, #tpu.memory_space<vmem>>)
    %dma_wait3A_21 = arith.constant 0 : i32
    %dma_wait3A_22 = arith.constant 0 : i32
    %dma_wait3A_23 = tpu.memref_slice %arg2[%dma_wait3A_21, %dma_wait3A_22] : memref<49152x128xf32, #tpu.memory_space<hbm>> -> memref<49152x128xf32, #tpu.memory_space<hbm>>
    tpu.wait_indirect_dma semaphore(%arg15 : memref<!tpu.dma_semaphore, #tpu.memory_space<semaphore_mem>>) src(%dma_wait3A_23 : memref<49152x128xf32, #tpu.memory_space<hbm>>) dst(%arg10 : memref<128x128xf32, #tpu.memory_space<vmem>>)
    %dma_wait3A_24 = arith.constant 0 : i32
    %dma_wait3A_25 = arith.constant 0 : i32
    %dma_wait3A_26 = tpu.memref_slice %arg2[%dma_wait3A_24, %dma_wait3A_25] : memref<49152x128xf32, #tpu.memory_space<hbm>> -> memref<49152x128xf32, #tpu.memory_space<hbm>>
    tpu.wait_indirect_dma semaphore(%arg16 : memref<!tpu.dma_semaphore, #tpu.memory_space<semaphore_mem>>) src(%dma_wait3A_26 : memref<49152x128xf32, #tpu.memory_space<hbm>>) dst(%arg11 : memref<128x128xf32, #tpu.memory_space<vmem>>)
    %scan3A = arith.constant 0 : i32
    %scan3A_27 = arith.constant 0 : i32
    %scan3A_28 = arith.constant 128 : i32
    %scan3A_29 = arith.addi %scan3A_27, %scan3A_28 : i32
    %scan3A_30 = arith.constant 1 : i32
    scf.for %scan3A_128 = %scan3A_27 to %scan3A_29 step %scan3A_30  : i32 {
      %get3A = arith.index_cast %scan3A_128 : i32 to index
      %get3A_129 = arith.constant 0 : index
      %get3A_130 = tpu.vector_load %arg9[%get3A, %get3A_129] {strides = array<i32>} : memref<128x128xf32, #tpu.memory_space<vmem>>, vector<1x16xf32>,
      %get3A_131 = vector.shape_cast %get3A_130 : vector<1x16xf32> to vector<16xf32>
      %get3A_132 = arith.index_cast %scan3A_128 : i32 to index
      %get3A_133 = arith.constant 0 : index
      %get3A_134 = tpu.vector_load %arg10[%get3A_132, %get3A_133] {strides = array<i32>} : memref<128x128xf32, #tpu.memory_space<vmem>>, vector<1x16xf32>,
      %get3A_135 = vector.shape_cast %get3A_134 : vector<1x16xf32> to vector<16xf32>
      %add3A_136 = arith.addf %get3A_131, %get3A_135 : vector<16xf32>
      %get3A_137 = arith.index_cast %scan3A_128 : i32 to index
      %get3A_138 = arith.constant 0 : index
      %get3A_139 = tpu.vector_load %arg11[%get3A_137, %get3A_138] {strides = array<i32>} : memref<128x128xf32, #tpu.memory_space<vmem>>, vector<1x16xf32>,
      %get3A_140 = vector.shape_cast %get3A_139 : vector<1x16xf32> to vector<16xf32>
      %add3A_141 = arith.addf %add3A_136, %get3A_140 : vector<16xf32>
      %get3A_142 = arith.constant 0 : index
      %get3A_143 = tpu.vector_load %arg13[%get3A_142] {strides = array<i32>} : memref<96xf32, #tpu.memory_space<vmem>>, vector<16xf32>,
      %get3A_144 = vector.shape_cast %get3A_143 : vector<16xf32> to vector<16xf32>
      %add3A_145 = arith.addf %add3A_141, %get3A_144 : vector<16xf32>
      %max3A = arith.constant 0.000000e+00 : f32
      %max3A_146 = vector.broadcast %max3A : f32 to vector<16xf32>
      %max3A_147 = arith.maximumf %add3A_145, %max3A_146 : vector<16xf32>
      %swap3A = arith.index_cast %scan3A_128 : i32 to index
      %swap3A_148 = arith.constant 0 : index
      %swap3A_149 = tpu.vector_load %arg12[%swap3A, %swap3A_148] {strides = array<i32>} : memref<128x96xf32, #tpu.memory_space<vmem>>, vector<1x16xf32>,
      %swap3A_150 = vector.shape_cast %swap3A_149 : vector<1x16xf32> to vector<16xf32>
      %swap3A_151 = vector.shape_cast %max3A_147 : vector<16xf32> to vector<1x16xf32>
      tpu.vector_store %arg12[%swap3A, %swap3A_148], %swap3A_151 {strides = array<i32>} : memref<128x96xf32, #tpu.memory_space<vmem>>, vector<1x16xf32>,
      %get3A_152 = arith.index_cast %scan3A_128 : i32 to index
      %get3A_153 = arith.constant 16 : index
      %get3A_154 = tpu.vector_load %arg9[%get3A_152, %get3A_153] {strides = array<i32>} : memref<128x128xf32, #tpu.memory_space<vmem>>, vector<1x16xf32>,
      %get3A_155 = vector.shape_cast %get3A_154 : vector<1x16xf32> to vector<16xf32>
      %get3A_156 = arith.index_cast %scan3A_128 : i32 to index
      %get3A_157 = arith.constant 16 : index
      %get3A_158 = tpu.vector_load %arg10[%get3A_156, %get3A_157] {strides = array<i32>} : memref<128x128xf32, #tpu.memory_space<vmem>>, vector<1x16xf32>,
      %get3A_159 = vector.shape_cast %get3A_158 : vector<1x16xf32> to vector<16xf32>
      %add3A_160 = arith.addf %get3A_155, %get3A_159 : vector<16xf32>
      %get3A_161 = arith.index_cast %scan3A_128 : i32 to index
      %get3A_162 = arith.constant 16 : index
      %get3A_163 = tpu.vector_load %arg11[%get3A_161, %get3A_162] {strides = array<i32>} : memref<128x128xf32, #tpu.memory_space<vmem>>, vector<1x16xf32>,
      %get3A_164 = vector.shape_cast %get3A_163 : vector<1x16xf32> to vector<16xf32>
      %add3A_165 = arith.addf %add3A_160, %get3A_164 : vector<16xf32>
      %get3A_166 = arith.constant 16 : index
      %get3A_167 = tpu.vector_load %arg13[%get3A_166] {strides = array<i32>} : memref<96xf32, #tpu.memory_space<vmem>>, vector<16xf32>,
      %get3A_168 = vector.shape_cast %get3A_167 : vector<16xf32> to vector<16xf32>
      %add3A_169 = arith.addf %add3A_165, %get3A_168 : vector<16xf32>
      %max3A_170 = arith.constant 0.000000e+00 : f32
      %max3A_171 = vector.broadcast %max3A_170 : f32 to vector<16xf32>
      %max3A_172 = arith.maximumf %add3A_169, %max3A_171 : vector<16xf32>
      %swap3A_173 = arith.index_cast %scan3A_128 : i32 to index
      %swap3A_174 = arith.constant 16 : index
      %swap3A_175 = tpu.vector_load %arg12[%swap3A_173, %swap3A_174] {strides = array<i32>} : memref<128x96xf32, #tpu.memory_space<vmem>>, vector<1x16xf32>,
      %swap3A_176 = vector.shape_cast %swap3A_175 : vector<1x16xf32> to vector<16xf32>
      %swap3A_177 = vector.shape_cast %max3A_172 : vector<16xf32> to vector<1x16xf32>
      tpu.vector_store %arg12[%swap3A_173, %swap3A_174], %swap3A_177 {strides = array<i32>} : memref<128x96xf32, #tpu.memory_space<vmem>>, vector<1x16xf32>,
      %get3A_178 = arith.index_cast %scan3A_128 : i32 to index
      %get3A_179 = arith.constant 32 : index
      %get3A_180 = tpu.vector_load %arg9[%get3A_178, %get3A_179] {strides = array<i32>} : memref<128x128xf32, #tpu.memory_space<vmem>>, vector<1x16xf32>,
      %get3A_181 = vector.shape_cast %get3A_180 : vector<1x16xf32> to vector<16xf32>
      %get3A_182 = arith.index_cast %scan3A_128 : i32 to index
      %get3A_183 = arith.constant 32 : index
      %get3A_184 = tpu.vector_load %arg10[%get3A_182, %get3A_183] {strides = array<i32>} : memref<128x128xf32, #tpu.memory_space<vmem>>, vector<1x16xf32>,
      %get3A_185 = vector.shape_cast %get3A_184 : vector<1x16xf32> to vector<16xf32>
      %add3A_186 = arith.addf %get3A_181, %get3A_185 : vector<16xf32>
      %get3A_187 = arith.index_cast %scan3A_128 : i32 to index
      %get3A_188 = arith.constant 32 : index
      %get3A_189 = tpu.vector_load %arg11[%get3A_187, %get3A_188] {strides = array<i32>} : memref<128x128xf32, #tpu.memory_space<vmem>>, vector<1x16xf32>,
      %get3A_190 = vector.shape_cast %get3A_189 : vector<1x16xf32> to vector<16xf32>
      %add3A_191 = arith.addf %add3A_186, %get3A_190 : vector<16xf32>
      %get3A_192 = arith.constant 32 : index
      %get3A_193 = tpu.vector_load %arg13[%get3A_192] {strides = array<i32>} : memref<96xf32, #tpu.memory_space<vmem>>, vector<16xf32>,
      %get3A_194 = vector.shape_cast %get3A_193 : vector<16xf32> to vector<16xf32>
      %add3A_195 = arith.addf %add3A_191, %get3A_194 : vector<16xf32>
      %max3A_196 = arith.constant 0.000000e+00 : f32
      %max3A_197 = vector.broadcast %max3A_196 : f32 to vector<16xf32>
      %max3A_198 = arith.maximumf %add3A_195, %max3A_197 : vector<16xf32>
      %swap3A_199 = arith.index_cast %scan3A_128 : i32 to index
      %swap3A_200 = arith.constant 32 : index
      %swap3A_201 = tpu.vector_load %arg12[%swap3A_199, %swap3A_200] {strides = array<i32>} : memref<128x96xf32, #tpu.memory_space<vmem>>, vector<1x16xf32>,
      %swap3A_202 = vector.shape_cast %swap3A_201 : vector<1x16xf32> to vector<16xf32>
      %swap3A_203 = vector.shape_cast %max3A_198 : vector<16xf32> to vector<1x16xf32>
      tpu.vector_store %arg12[%swap3A_199, %swap3A_200], %swap3A_203 {strides = array<i32>} : memref<128x96xf32, #tpu.memory_space<vmem>>, vector<1x16xf32>,
      %get3A_204 = arith.index_cast %scan3A_128 : i32 to index
      %get3A_205 = arith.constant 48 : index
      %get3A_206 = tpu.vector_load %arg9[%get3A_204, %get3A_205] {strides = array<i32>} : memref<128x128xf32, #tpu.memory_space<vmem>>, vector<1x16xf32>,
      %get3A_207 = vector.shape_cast %get3A_206 : vector<1x16xf32> to vector<16xf32>
      %get3A_208 = arith.index_cast %scan3A_128 : i32 to index
      %get3A_209 = arith.constant 48 : index
      %get3A_210 = tpu.vector_load %arg10[%get3A_208, %get3A_209] {strides = array<i32>} : memref<128x128xf32, #tpu.memory_space<vmem>>, vector<1x16xf32>,
      %get3A_211 = vector.shape_cast %get3A_210 : vector<1x16xf32> to vector<16xf32>
      %add3A_212 = arith.addf %get3A_207, %get3A_211 : vector<16xf32>
      %get3A_213 = arith.index_cast %scan3A_128 : i32 to index
      %get3A_214 = arith.constant 48 : index
      %get3A_215 = tpu.vector_load %arg11[%get3A_213, %get3A_214] {strides = array<i32>} : memref<128x128xf32, #tpu.memory_space<vmem>>, vector<1x16xf32>,
      %get3A_216 = vector.shape_cast %get3A_215 : vector<1x16xf32> to vector<16xf32>
      %add3A_217 = arith.addf %add3A_212, %get3A_216 : vector<16xf32>
      %get3A_218 = arith.constant 48 : index
      %get3A_219 = tpu.vector_load %arg13[%get3A_218] {strides = array<i32>} : memref<96xf32, #tpu.memory_space<vmem>>, vector<16xf32>,
      %get3A_220 = vector.shape_cast %get3A_219 : vector<16xf32> to vector<16xf32>
      %add3A_221 = arith.addf %add3A_217, %get3A_220 : vector<16xf32>
      %max3A_222 = arith.constant 0.000000e+00 : f32
      %max3A_223 = vector.broadcast %max3A_222 : f32 to vector<16xf32>
      %max3A_224 = arith.maximumf %add3A_221, %max3A_223 : vector<16xf32>
      %swap3A_225 = arith.index_cast %scan3A_128 : i32 to index
      %swap3A_226 = arith.constant 48 : index
      %swap3A_227 = tpu.vector_load %arg12[%swap3A_225, %swap3A_226] {strides = array<i32>} : memref<128x96xf32, #tpu.memory_space<vmem>>, vector<1x16xf32>,
      %swap3A_228 = vector.shape_cast %swap3A_227 : vector<1x16xf32> to vector<16xf32>
      %swap3A_229 = vector.shape_cast %max3A_224 : vector<16xf32> to vector<1x16xf32>
      tpu.vector_store %arg12[%swap3A_225, %swap3A_226], %swap3A_229 {strides = array<i32>} : memref<128x96xf32, #tpu.memory_space<vmem>>, vector<1x16xf32>,
      %get3A_230 = arith.index_cast %scan3A_128 : i32 to index
      %get3A_231 = arith.constant 64 : index
      %get3A_232 = tpu.vector_load %arg9[%get3A_230, %get3A_231] {strides = array<i32>} : memref<128x128xf32, #tpu.memory_space<vmem>>, vector<1x16xf32>,
      %get3A_233 = vector.shape_cast %get3A_232 : vector<1x16xf32> to vector<16xf32>
      %get3A_234 = arith.index_cast %scan3A_128 : i32 to index
      %get3A_235 = arith.constant 64 : index
      %get3A_236 = tpu.vector_load %arg10[%get3A_234, %get3A_235] {strides = array<i32>} : memref<128x128xf32, #tpu.memory_space<vmem>>, vector<1x16xf32>,
      %get3A_237 = vector.shape_cast %get3A_236 : vector<1x16xf32> to vector<16xf32>
      %add3A_238 = arith.addf %get3A_233, %get3A_237 : vector<16xf32>
      %get3A_239 = arith.index_cast %scan3A_128 : i32 to index
      %get3A_240 = arith.constant 64 : index
      %get3A_241 = tpu.vector_load %arg11[%get3A_239, %get3A_240] {strides = array<i32>} : memref<128x128xf32, #tpu.memory_space<vmem>>, vector<1x16xf32>,
      %get3A_242 = vector.shape_cast %get3A_241 : vector<1x16xf32> to vector<16xf32>
      %add3A_243 = arith.addf %add3A_238, %get3A_242 : vector<16xf32>
      %get3A_244 = arith.constant 64 : index
      %get3A_245 = tpu.vector_load %arg13[%get3A_244] {strides = array<i32>} : memref<96xf32, #tpu.memory_space<vmem>>, vector<16xf32>,
      %get3A_246 = vector.shape_cast %get3A_245 : vector<16xf32> to vector<16xf32>
      %add3A_247 = arith.addf %add3A_243, %get3A_246 : vector<16xf32>
      %max3A_248 = arith.constant 0.000000e+00 : f32
      %max3A_249 = vector.broadcast %max3A_248 : f32 to vector<16xf32>
      %max3A_250 = arith.maximumf %add3A_247, %max3A_249 : vector<16xf32>
      %swap3A_251 = arith.index_cast %scan3A_128 : i32 to index
      %swap3A_252 = arith.constant 64 : index
      %swap3A_253 = tpu.vector_load %arg12[%swap3A_251, %swap3A_252] {strides = array<i32>} : memref<128x96xf32, #tpu.memory_space<vmem>>, vector<1x16xf32>,
      %swap3A_254 = vector.shape_cast %swap3A_253 : vector<1x16xf32> to vector<16xf32>
      %swap3A_255 = vector.shape_cast %max3A_250 : vector<16xf32> to vector<1x16xf32>
      tpu.vector_store %arg12[%swap3A_251, %swap3A_252], %swap3A_255 {strides = array<i32>} : memref<128x96xf32, #tpu.memory_space<vmem>>, vector<1x16xf32>,
      %get3A_256 = arith.index_cast %scan3A_128 : i32 to index
      %get3A_257 = arith.constant 80 : index
      %get3A_258 = tpu.vector_load %arg9[%get3A_256, %get3A_257] {strides = array<i32>} : memref<128x128xf32, #tpu.memory_space<vmem>>, vector<1x16xf32>,
      %get3A_259 = vector.shape_cast %get3A_258 : vector<1x16xf32> to vector<16xf32>
      %get3A_260 = arith.index_cast %scan3A_128 : i32 to index
      %get3A_261 = arith.constant 80 : index
      %get3A_262 = tpu.vector_load %arg10[%get3A_260, %get3A_261] {strides = array<i32>} : memref<128x128xf32, #tpu.memory_space<vmem>>, vector<1x16xf32>,
      %get3A_263 = vector.shape_cast %get3A_262 : vector<1x16xf32> to vector<16xf32>
      %add3A_264 = arith.addf %get3A_259, %get3A_263 : vector<16xf32>
      %get3A_265 = arith.index_cast %scan3A_128 : i32 to index
      %get3A_266 = arith.constant 80 : index
      %get3A_267 = tpu.vector_load %arg11[%get3A_265, %get3A_266] {strides = array<i32>} : memref<128x128xf32, #tpu.memory_space<vmem>>, vector<1x16xf32>,
      %get3A_268 = vector.shape_cast %get3A_267 : vector<1x16xf32> to vector<16xf32>
      %add3A_269 = arith.addf %add3A_264, %get3A_268 : vector<16xf32>
      %get3A_270 = arith.constant 80 : index
      %get3A_271 = tpu.vector_load %arg13[%get3A_270] {strides = array<i32>} : memref<96xf32, #tpu.memory_space<vmem>>, vector<16xf32>,
      %get3A_272 = vector.shape_cast %get3A_271 : vector<16xf32> to vector<16xf32>
      %add3A_273 = arith.addf %add3A_269, %get3A_272 : vector<16xf32>
      %max3A_274 = arith.constant 0.000000e+00 : f32
      %max3A_275 = vector.broadcast %max3A_274 : f32 to vector<16xf32>
      %max3A_276 = arith.maximumf %add3A_273, %max3A_275 : vector<16xf32>
      %swap3A_277 = arith.index_cast %scan3A_128 : i32 to index
      %swap3A_278 = arith.constant 80 : index
      %swap3A_279 = tpu.vector_load %arg12[%swap3A_277, %swap3A_278] {strides = array<i32>} : memref<128x96xf32, #tpu.memory_space<vmem>>, vector<1x16xf32>,
      %swap3A_280 = vector.shape_cast %swap3A_279 : vector<1x16xf32> to vector<16xf32>
      %swap3A_281 = vector.shape_cast %max3A_276 : vector<16xf32> to vector<1x16xf32>
      tpu.vector_store %arg12[%swap3A_277, %swap3A_278], %swap3A_281 {strides = array<i32>} : memref<128x96xf32, #tpu.memory_space<vmem>>, vector<1x16xf32>,
    }
    %scan3A_31 = arith.constant 128 : i32
    "tpu.region"() ({
      %run_scoped3A = tpu.sem_alloc : memref<!tpu.dma_semaphore, #tpu.memory_space<semaphore_mem>>
      %dma_start3A_128 = arith.constant 0 : i32
      %dma_start3A_129 = tpu.memref_slice %arg5[%add3A_4, %dma_start3A_128] : memref<16384x96xf32, #tpu.memory_space<hbm>> -> memref<128x96xf32, #tpu.memory_space<hbm>>
      %dma_start3A_130 = arith.constant 0 : i32
      %dma_start3A_131 = tpu.memref_slice %arg5[%add3A_4, %dma_start3A_130] : memref<16384x96xf32, #tpu.memory_space<hbm>> -> memref<128x96xf32, #tpu.memory_space<hbm>>
      tpu.enqueue_dma source(%arg12 : memref<128x96xf32, #tpu.memory_space<vmem>>) target(%dma_start3A_131 : memref<128x96xf32, #tpu.memory_space<hbm>>) target_semaphore(%run_scoped3A : memref<!tpu.dma_semaphore, #tpu.memory_space<semaphore_mem>>)
      %dma_wait3A_132 = arith.constant 0 : i32
      %dma_wait3A_133 = tpu.memref_slice %arg5[%add3A_4, %dma_wait3A_132] : memref<16384x96xf32, #tpu.memory_space<hbm>> -> memref<128x96xf32, #tpu.memory_space<hbm>>
      %dma_wait3A_134 = arith.constant 0 : i32
      %dma_wait3A_135 = tpu.memref_slice %arg5[%add3A_4, %dma_wait3A_134] : memref<16384x96xf32, #tpu.memory_space<hbm>> -> memref<128x96xf32, #tpu.memory_space<hbm>>
      tpu.wait_dma2 semaphore(%run_scoped3A : memref<!tpu.dma_semaphore, #tpu.memory_space<semaphore_mem>>) src(%arg12 : memref<128x96xf32, #tpu.memory_space<vmem>>) dst(%dma_wait3A_135 : memref<128x96xf32, #tpu.memory_space<hbm>>)
      tpu.yield
    }) : () -> ()
    %add3A_32 = arith.constant 128 : i32
    %add3A_33 = arith.addi %mul3A_2, %add3A_32 : i32
    %add3A_34 = arith.constant 0 : i32
    %add3A_35 = arith.addi %add3A_34, %add3A_33 : i32
    "tpu.region"() ({
      %run_scoped3A = tpu.sem_alloc : memref<!tpu.dma_semaphore, #tpu.memory_space<semaphore_mem>>
      %dma_start3A_128 = tpu.memref_slice %arg3[%add3A_35] : memref<49152xi32, #tpu.memory_space<hbm>> -> memref<128xi32, #tpu.memory_space<hbm>>
      %dma_start3A_129 = tpu.memref_slice %arg3[%add3A_35] : memref<49152xi32, #tpu.memory_space<hbm>> -> memref<128xi32, #tpu.memory_space<hbm>>
      tpu.enqueue_dma source(%dma_start3A_129 : memref<128xi32, #tpu.memory_space<hbm>>) target(%arg6 : memref<128xi32, #tpu.memory_space<vmem>>) target_semaphore(%run_scoped3A : memref<!tpu.dma_semaphore, #tpu.memory_space<semaphore_mem>>)
      %dma_wait3A_130 = tpu.memref_slice %arg3[%add3A_35] : memref<49152xi32, #tpu.memory_space<hbm>> -> memref<128xi32, #tpu.memory_space<hbm>>
      %dma_wait3A_131 = tpu.memref_slice %arg3[%add3A_35] : memref<49152xi32, #tpu.memory_space<hbm>> -> memref<128xi32, #tpu.memory_space<hbm>>
      tpu.wait_dma2 semaphore(%run_scoped3A : memref<!tpu.dma_semaphore, #tpu.memory_space<semaphore_mem>>) src(%dma_wait3A_131 : memref<128xi32, #tpu.memory_space<hbm>>) dst(%arg6 : memref<128xi32, #tpu.memory_space<vmem>>)
      tpu.yield
    }) : () -> ()
    %dma_start3A_36 = arith.constant 0 : i32
    %dma_start3A_37 = arith.constant 0 : i32
    %dma_start3A_38 = tpu.memref_slice %arg2[%dma_start3A_36, %dma_start3A_37] : memref<49152x128xf32, #tpu.memory_space<hbm>> -> memref<49152x128xf32, #tpu.memory_space<hbm>>
    tpu.enqueue_indirect_dma source(%dma_start3A_38 : memref<49152x128xf32, #tpu.memory_space<hbm>>) target(%arg9 : memref<128x128xf32, #tpu.memory_space<vmem>>) offsets(%arg6 : memref<128xi32, #tpu.memory_space<vmem>>) semaphore(%arg14 : memref<!tpu.dma_semaphore, #tpu.memory_space<semaphore_mem>>)
    %add3A_39 = arith.constant 16384 : i32
    %add3A_40 = arith.addi %add3A_39, %add3A_33 : i32
    "tpu.region"() ({
      %run_scoped3A = tpu.sem_alloc : memref<!tpu.dma_semaphore, #tpu.memory_space<semaphore_mem>>
      %dma_start3A_128 = tpu.memref_slice %arg3[%add3A_40] : memref<49152xi32, #tpu.memory_space<hbm>> -> memref<128xi32, #tpu.memory_space<hbm>>
      %dma_start3A_129 = tpu.memref_slice %arg3[%add3A_40] : memref<49152xi32, #tpu.memory_space<hbm>> -> memref<128xi32, #tpu.memory_space<hbm>>
      tpu.enqueue_dma source(%dma_start3A_129 : memref<128xi32, #tpu.memory_space<hbm>>) target(%arg7 : memref<128xi32, #tpu.memory_space<vmem>>) target_semaphore(%run_scoped3A : memref<!tpu.dma_semaphore, #tpu.memory_space<semaphore_mem>>)
      %dma_wait3A_130 = tpu.memref_slice %arg3[%add3A_40] : memref<49152xi32, #tpu.memory_space<hbm>> -> memref<128xi32, #tpu.memory_space<hbm>>
      %dma_wait3A_131 = tpu.memref_slice %arg3[%add3A_40] : memref<49152xi32, #tpu.memory_space<hbm>> -> memref<128xi32, #tpu.memory_space<hbm>>
      tpu.wait_dma2 semaphore(%run_scoped3A : memref<!tpu.dma_semaphore, #tpu.memory_space<semaphore_mem>>) src(%dma_wait3A_131 : memref<128xi32, #tpu.memory_space<hbm>>) dst(%arg7 : memref<128xi32, #tpu.memory_space<vmem>>)
      tpu.yield
    }) : () -> ()
    %dma_start3A_41 = arith.constant 0 : i32
    %dma_start3A_42 = arith.constant 0 : i32
    %dma_start3A_43 = tpu.memref_slice %arg2[%dma_start3A_41, %dma_start3A_42] : memref<49152x128xf32, #tpu.memory_space<hbm>> -> memref<49152x128xf32, #tpu.memory_space<hbm>>
    tpu.enqueue_indirect_dma source(%dma_start3A_43 : memref<49152x128xf32, #tpu.memory_space<hbm>>) target(%arg10 : memref<128x128xf32, #tpu.memory_space<vmem>>) offsets(%arg7 : memref<128xi32, #tpu.memory_space<vmem>>) semaphore(%arg15 : memref<!tpu.dma_semaphore, #tpu.memory_space<semaphore_mem>>)
    %add3A_44 = arith.constant 32768 : i32
    %add3A_45 = arith.addi %add3A_44, %add3A_33 : i32
    "tpu.region"() ({
      %run_scoped3A = tpu.sem_alloc : memref<!tpu.dma_semaphore, #tpu.memory_space<semaphore_mem>>
      %dma_start3A_128 = tpu.memref_slice %arg3[%add3A_45] : memref<49152xi32, #tpu.memory_space<hbm>> -> memref<128xi32, #tpu.memory_space<hbm>>
      %dma_start3A_129 = tpu.memref_slice %arg3[%add3A_45] : memref<49152xi32, #tpu.memory_space<hbm>> -> memref<128xi32, #tpu.memory_space<hbm>>
      tpu.enqueue_dma source(%dma_start3A_129 : memref<128xi32, #tpu.memory_space<hbm>>) target(%arg8 : memref<128xi32, #tpu.memory_space<vmem>>) target_semaphore(%run_scoped3A : memref<!tpu.dma_semaphore, #tpu.memory_space<semaphore_mem>>)
      %dma_wait3A_130 = tpu.memref_slice %arg3[%add3A_45] : memref<49152xi32, #tpu.memory_space<hbm>> -> memref<128xi32, #tpu.memory_space<hbm>>
      %dma_wait3A_131 = tpu.memref_slice %arg3[%add3A_45] : memref<49152xi32, #tpu.memory_space<hbm>> -> memref<128xi32, #tpu.memory_space<hbm>>
      tpu.wait_dma2 semaphore(%run_scoped3A : memref<!tpu.dma_semaphore, #tpu.memory_space<semaphore_mem>>) src(%dma_wait3A_131 : memref<128xi32, #tpu.memory_space<hbm>>) dst(%arg8 : memref<128xi32, #tpu.memory_space<vmem>>)
      tpu.yield
    }) : () -> ()
    %dma_start3A_46 = arith.constant 0 : i32
    %dma_start3A_47 = arith.constant 0 : i32
    %dma_start3A_48 = tpu.memref_slice %arg2[%dma_start3A_46, %dma_start3A_47] : memref<49152x128xf32, #tpu.memory_space<hbm>> -> memref<49152x128xf32, #tpu.memory_space<hbm>>
    tpu.enqueue_indirect_dma source(%dma_start3A_48 : memref<49152x128xf32, #tpu.memory_space<hbm>>) target(%arg11 : memref<128x128xf32, #tpu.memory_space<vmem>>) offsets(%arg8 : memref<128xi32, #tpu.memory_space<vmem>>) semaphore(%arg16 : memref<!tpu.dma_semaphore, #tpu.memory_space<semaphore_mem>>)
    %dma_wait3A_49 = arith.constant 0 : i32
    %dma_wait3A_50 = arith.constant 0 : i32
    %dma_wait3A_51 = tpu.memref_slice %arg2[%dma_wait3A_49, %dma_wait3A_50] : memref<49152x128xf32, #tpu.memory_space<hbm>> -> memref<49152x128xf32, #tpu.memory_space<hbm>>
    tpu.wait_indirect_dma semaphore(%arg14 : memref<!tpu.dma_semaphore, #tpu.memory_space<semaphore_mem>>) src(%dma_wait3A_51 : memref<49152x128xf32, #tpu.memory_space<hbm>>) dst(%arg9 : memref<128x128xf32, #tpu.memory_space<vmem>>)
    %dma_wait3A_52 = arith.constant 0 : i32
    %dma_wait3A_53 = arith.constant 0 : i32
    %dma_wait3A_54 = tpu.memref_slice %arg2[%dma_wait3A_52, %dma_wait3A_53] : memref<49152x128xf32, #tpu.memory_space<hbm>> -> memref<49152x128xf32, #tpu.memory_space<hbm>>
    tpu.wait_indirect_dma semaphore(%arg15 : memref<!tpu.dma_semaphore, #tpu.memory_space<semaphore_mem>>) src(%dma_wait3A_54 : memref<49152x128xf32, #tpu.memory_space<hbm>>) dst(%arg10 : memref<128x128xf32, #tpu.memory_space<vmem>>)
    %dma_wait3A_55 = arith.constant 0 : i32
    %dma_wait3A_56 = arith.constant 0 : i32
    %dma_wait3A_57 = tpu.memref_slice %arg2[%dma_wait3A_55, %dma_wait3A_56] : memref<49152x128xf32, #tpu.memory_space<hbm>> -> memref<49152x128xf32, #tpu.memory_space<hbm>>
    tpu.wait_indirect_dma semaphore(%arg16 : memref<!tpu.dma_semaphore, #tpu.memory_space<semaphore_mem>>) src(%dma_wait3A_57 : memref<49152x128xf32, #tpu.memory_space<hbm>>) dst(%arg11 : memref<128x128xf32, #tpu.memory_space<vmem>>)
    %scan3A_58 = arith.constant 0 : i32
    %scan3A_59 = arith.constant 0 : i32
    %scan3A_60 = arith.constant 128 : i32
    %scan3A_61 = arith.addi %scan3A_59, %scan3A_60 : i32
    %scan3A_62 = arith.constant 1 : i32
    scf.for %scan3A_128 = %scan3A_59 to %scan3A_61 step %scan3A_62  : i32 {
      %get3A = arith.index_cast %scan3A_128 : i32 to index
      %get3A_129 = arith.constant 0 : index
      %get3A_130 = tpu.vector_load %arg9[%get3A, %get3A_129] {strides = array<i32>} : memref<128x128xf32, #tpu.memory_space<vmem>>, vector<1x16xf32>,
      %get3A_131 = vector.shape_cast %get3A_130 : vector<1x16xf32> to vector<16xf32>
      %get3A_132 = arith.index_cast %scan3A_128 : i32 to index
      %get3A_133 = arith.constant 0 : index
      %get3A_134 = tpu.vector_load %arg10[%get3A_132, %get3A_133] {strides = array<i32>} : memref<128x128xf32, #tpu.memory_space<vmem>>, vector<1x16xf32>,
      %get3A_135 = vector.shape_cast %get3A_134 : vector<1x16xf32> to vector<16xf32>
      %add3A_136 = arith.addf %get3A_131, %get3A_135 : vector<16xf32>
      %get3A_137 = arith.index_cast %scan3A_128 : i32 to index
      %get3A_138 = arith.constant 0 : index
      %get3A_139 = tpu.vector_load %arg11[%get3A_137, %get3A_138] {strides = array<i32>} : memref<128x128xf32, #tpu.memory_space<vmem>>, vector<1x16xf32>,
      %get3A_140 = vector.shape_cast %get3A_139 : vector<1x16xf32> to vector<16xf32>
      %add3A_141 = arith.addf %add3A_136, %get3A_140 : vector<16xf32>
      %get3A_142 = arith.constant 0 : index
      %get3A_143 = tpu.vector_load %arg13[%get3A_142] {strides = array<i32>} : memref<96xf32, #tpu.memory_space<vmem>>, vector<16xf32>,
      %get3A_144 = vector.shape_cast %get3A_143 : vector<16xf32> to vector<16xf32>
      %add3A_145 = arith.addf %add3A_141, %get3A_144 : vector<16xf32>
      %max3A = arith.constant 0.000000e+00 : f32
      %max3A_146 = vector.broadcast %max3A : f32 to vector<16xf32>
      %max3A_147 = arith.maximumf %add3A_145, %max3A_146 : vector<16xf32>
      %swap3A = arith.index_cast %scan3A_128 : i32 to index
      %swap3A_148 = arith.constant 0 : index
      %swap3A_149 = tpu.vector_load %arg12[%swap3A, %swap3A_148] {strides = array<i32>} : memref<128x96xf32, #tpu.memory_space<vmem>>, vector<1x16xf32>,
      %swap3A_150 = vector.shape_cast %swap3A_149 : vector<1x16xf32> to vector<16xf32>
      %swap3A_151 = vector.shape_cast %max3A_147 : vector<16xf32> to vector<1x16xf32>
      tpu.vector_store %arg12[%swap3A, %swap3A_148], %swap3A_151 {strides = array<i32>} : memref<128x96xf32, #tpu.memory_space<vmem>>, vector<1x16xf32>,
      %get3A_152 = arith.index_cast %scan3A_128 : i32 to index
      %get3A_153 = arith.constant 16 : index
      %get3A_154 = tpu.vector_load %arg9[%get3A_152, %get3A_153] {strides = array<i32>} : memref<128x128xf32, #tpu.memory_space<vmem>>, vector<1x16xf32>,
      %get3A_155 = vector.shape_cast %get3A_154 : vector<1x16xf32> to vector<16xf32>
      %get3A_156 = arith.index_cast %scan3A_128 : i32 to index
      %get3A_157 = arith.constant 16 : index
      %get3A_158 = tpu.vector_load %arg10[%get3A_156, %get3A_157] {strides = array<i32>} : memref<128x128xf32, #tpu.memory_space<vmem>>, vector<1x16xf32>,
      %get3A_159 = vector.shape_cast %get3A_158 : vector<1x16xf32> to vector<16xf32>
      %add3A_160 = arith.addf %get3A_155, %get3A_159 : vector<16xf32>
      %get3A_161 = arith.index_cast %scan3A_128 : i32 to index
      %get3A_162 = arith.constant 16 : index
      %get3A_163 = tpu.vector_load %arg11[%get3A_161, %get3A_162] {strides = array<i32>} : memref<128x128xf32, #tpu.memory_space<vmem>>, vector<1x16xf32>,
      %get3A_164 = vector.shape_cast %get3A_163 : vector<1x16xf32> to vector<16xf32>
      %add3A_165 = arith.addf %add3A_160, %get3A_164 : vector<16xf32>
      %get3A_166 = arith.constant 16 : index
      %get3A_167 = tpu.vector_load %arg13[%get3A_166] {strides = array<i32>} : memref<96xf32, #tpu.memory_space<vmem>>, vector<16xf32>,
      %get3A_168 = vector.shape_cast %get3A_167 : vector<16xf32> to vector<16xf32>
      %add3A_169 = arith.addf %add3A_165, %get3A_168 : vector<16xf32>
      %max3A_170 = arith.constant 0.000000e+00 : f32
      %max3A_171 = vector.broadcast %max3A_170 : f32 to vector<16xf32>
      %max3A_172 = arith.maximumf %add3A_169, %max3A_171 : vector<16xf32>
      %swap3A_173 = arith.index_cast %scan3A_128 : i32 to index
      %swap3A_174 = arith.constant 16 : index
      %swap3A_175 = tpu.vector_load %arg12[%swap3A_173, %swap3A_174] {strides = array<i32>} : memref<128x96xf32, #tpu.memory_space<vmem>>, vector<1x16xf32>,
      %swap3A_176 = vector.shape_cast %swap3A_175 : vector<1x16xf32> to vector<16xf32>
      %swap3A_177 = vector.shape_cast %max3A_172 : vector<16xf32> to vector<1x16xf32>
      tpu.vector_store %arg12[%swap3A_173, %swap3A_174], %swap3A_177 {strides = array<i32>} : memref<128x96xf32, #tpu.memory_space<vmem>>, vector<1x16xf32>,
      %get3A_178 = arith.index_cast %scan3A_128 : i32 to index
      %get3A_179 = arith.constant 32 : index
      %get3A_180 = tpu.vector_load %arg9[%get3A_178, %get3A_179] {strides = array<i32>} : memref<128x128xf32, #tpu.memory_space<vmem>>, vector<1x16xf32>,
      %get3A_181 = vector.shape_cast %get3A_180 : vector<1x16xf32> to vector<16xf32>
      %get3A_182 = arith.index_cast %scan3A_128 : i32 to index
      %get3A_183 = arith.constant 32 : index
      %get3A_184 = tpu.vector_load %arg10[%get3A_182, %get3A_183] {strides = array<i32>} : memref<128x128xf32, #tpu.memory_space<vmem>>, vector<1x16xf32>,
      %get3A_185 = vector.shape_cast %get3A_184 : vector<1x16xf32> to vector<16xf32>
      %add3A_186 = arith.addf %get3A_181, %get3A_185 : vector<16xf32>
      %get3A_187 = arith.index_cast %scan3A_128 : i32 to index
      %get3A_188 = arith.constant 32 : index
      %get3A_189 = tpu.vector_load %arg11[%get3A_187, %get3A_188] {strides = array<i32>} : memref<128x128xf32, #tpu.memory_space<vmem>>, vector<1x16xf32>,
      %get3A_190 = vector.shape_cast %get3A_189 : vector<1x16xf32> to vector<16xf32>
      %add3A_191 = arith.addf %add3A_186, %get3A_190 : vector<16xf32>
      %get3A_192 = arith.constant 32 : index
      %get3A_193 = tpu.vector_load %arg13[%get3A_192] {strides = array<i32>} : memref<96xf32, #tpu.memory_space<vmem>>, vector<16xf32>,
      %get3A_194 = vector.shape_cast %get3A_193 : vector<16xf32> to vector<16xf32>
      %add3A_195 = arith.addf %add3A_191, %get3A_194 : vector<16xf32>
      %max3A_196 = arith.constant 0.000000e+00 : f32
      %max3A_197 = vector.broadcast %max3A_196 : f32 to vector<16xf32>
      %max3A_198 = arith.maximumf %add3A_195, %max3A_197 : vector<16xf32>
      %swap3A_199 = arith.index_cast %scan3A_128 : i32 to index
      %swap3A_200 = arith.constant 32 : index
      %swap3A_201 = tpu.vector_load %arg12[%swap3A_199, %swap3A_200] {strides = array<i32>} : memref<128x96xf32, #tpu.memory_space<vmem>>, vector<1x16xf32>,
      %swap3A_202 = vector.shape_cast %swap3A_201 : vector<1x16xf32> to vector<16xf32>
      %swap3A_203 = vector.shape_cast %max3A_198 : vector<16xf32> to vector<1x16xf32>
      tpu.vector_store %arg12[%swap3A_199, %swap3A_200], %swap3A_203 {strides = array<i32>} : memref<128x96xf32, #tpu.memory_space<vmem>>, vector<1x16xf32>,
      %get3A_204 = arith.index_cast %scan3A_128 : i32 to index
      %get3A_205 = arith.constant 48 : index
      %get3A_206 = tpu.vector_load %arg9[%get3A_204, %get3A_205] {strides = array<i32>} : memref<128x128xf32, #tpu.memory_space<vmem>>, vector<1x16xf32>,
      %get3A_207 = vector.shape_cast %get3A_206 : vector<1x16xf32> to vector<16xf32>
      %get3A_208 = arith.index_cast %scan3A_128 : i32 to index
      %get3A_209 = arith.constant 48 : index
      %get3A_210 = tpu.vector_load %arg10[%get3A_208, %get3A_209] {strides = array<i32>} : memref<128x128xf32, #tpu.memory_space<vmem>>, vector<1x16xf32>,
      %get3A_211 = vector.shape_cast %get3A_210 : vector<1x16xf32> to vector<16xf32>
      %add3A_212 = arith.addf %get3A_207, %get3A_211 : vector<16xf32>
      %get3A_213 = arith.index_cast %scan3A_128 : i32 to index
      %get3A_214 = arith.constant 48 : index
      %get3A_215 = tpu.vector_load %arg11[%get3A_213, %get3A_214] {strides = array<i32>} : memref<128x128xf32, #tpu.memory_space<vmem>>, vector<1x16xf32>,
      %get3A_216 = vector.shape_cast %get3A_215 : vector<1x16xf32> to vector<16xf32>
      %add3A_217 = arith.addf %add3A_212, %get3A_216 : vector<16xf32>
      %get3A_218 = arith.constant 48 : index
      %get3A_219 = tpu.vector_load %arg13[%get3A_218] {strides = array<i32>} : memref<96xf32, #tpu.memory_space<vmem>>, vector<16xf32>,
      %get3A_220 = vector.shape_cast %get3A_219 : vector<16xf32> to vector<16xf32>
      %add3A_221 = arith.addf %add3A_217, %get3A_220 : vector<16xf32>
      %max3A_222 = arith.constant 0.000000e+00 : f32
      %max3A_223 = vector.broadcast %max3A_222 : f32 to vector<16xf32>
      %max3A_224 = arith.maximumf %add3A_221, %max3A_223 : vector<16xf32>
      %swap3A_225 = arith.index_cast %scan3A_128 : i32 to index
      %swap3A_226 = arith.constant 48 : index
      %swap3A_227 = tpu.vector_load %arg12[%swap3A_225, %swap3A_226] {strides = array<i32>} : memref<128x96xf32, #tpu.memory_space<vmem>>, vector<1x16xf32>,
      %swap3A_228 = vector.shape_cast %swap3A_227 : vector<1x16xf32> to vector<16xf32>
      %swap3A_229 = vector.shape_cast %max3A_224 : vector<16xf32> to vector<1x16xf32>
      tpu.vector_store %arg12[%swap3A_225, %swap3A_226], %swap3A_229 {strides = array<i32>} : memref<128x96xf32, #tpu.memory_space<vmem>>, vector<1x16xf32>,
      %get3A_230 = arith.index_cast %scan3A_128 : i32 to index
      %get3A_231 = arith.constant 64 : index
      %get3A_232 = tpu.vector_load %arg9[%get3A_230, %get3A_231] {strides = array<i32>} : memref<128x128xf32, #tpu.memory_space<vmem>>, vector<1x16xf32>,
      %get3A_233 = vector.shape_cast %get3A_232 : vector<1x16xf32> to vector<16xf32>
      %get3A_234 = arith.index_cast %scan3A_128 : i32 to index
      %get3A_235 = arith.constant 64 : index
      %get3A_236 = tpu.vector_load %arg10[%get3A_234, %get3A_235] {strides = array<i32>} : memref<128x128xf32, #tpu.memory_space<vmem>>, vector<1x16xf32>,
      %get3A_237 = vector.shape_cast %get3A_236 : vector<1x16xf32> to vector<16xf32>
      %add3A_238 = arith.addf %get3A_233, %get3A_237 : vector<16xf32>
      %get3A_239 = arith.index_cast %scan3A_128 : i32 to index
      %get3A_240 = arith.constant 64 : index
      %get3A_241 = tpu.vector_load %arg11[%get3A_239, %get3A_240] {strides = array<i32>} : memref<128x128xf32, #tpu.memory_space<vmem>>, vector<1x16xf32>,
      %get3A_242 = vector.shape_cast %get3A_241 : vector<1x16xf32> to vector<16xf32>
      %add3A_243 = arith.addf %add3A_238, %get3A_242 : vector<16xf32>
      %get3A_244 = arith.constant 64 : index
      %get3A_245 = tpu.vector_load %arg13[%get3A_244] {strides = array<i32>} : memref<96xf32, #tpu.memory_space<vmem>>, vector<16xf32>,
      %get3A_246 = vector.shape_cast %get3A_245 : vector<16xf32> to vector<16xf32>
      %add3A_247 = arith.addf %add3A_243, %get3A_246 : vector<16xf32>
      %max3A_248 = arith.constant 0.000000e+00 : f32
      %max3A_249 = vector.broadcast %max3A_248 : f32 to vector<16xf32>
      %max3A_250 = arith.maximumf %add3A_247, %max3A_249 : vector<16xf32>
      %swap3A_251 = arith.index_cast %scan3A_128 : i32 to index
      %swap3A_252 = arith.constant 64 : index
      %swap3A_253 = tpu.vector_load %arg12[%swap3A_251, %swap3A_252] {strides = array<i32>} : memref<128x96xf32, #tpu.memory_space<vmem>>, vector<1x16xf32>,
      %swap3A_254 = vector.shape_cast %swap3A_253 : vector<1x16xf32> to vector<16xf32>
      %swap3A_255 = vector.shape_cast %max3A_250 : vector<16xf32> to vector<1x16xf32>
      tpu.vector_store %arg12[%swap3A_251, %swap3A_252], %swap3A_255 {strides = array<i32>} : memref<128x96xf32, #tpu.memory_space<vmem>>, vector<1x16xf32>,
      %get3A_256 = arith.index_cast %scan3A_128 : i32 to index
      %get3A_257 = arith.constant 80 : index
      %get3A_258 = tpu.vector_load %arg9[%get3A_256, %get3A_257] {strides = array<i32>} : memref<128x128xf32, #tpu.memory_space<vmem>>, vector<1x16xf32>,
      %get3A_259 = vector.shape_cast %get3A_258 : vector<1x16xf32> to vector<16xf32>
      %get3A_260 = arith.index_cast %scan3A_128 : i32 to index
      %get3A_261 = arith.constant 80 : index
      %get3A_262 = tpu.vector_load %arg10[%get3A_260, %get3A_261] {strides = array<i32>} : memref<128x128xf32, #tpu.memory_space<vmem>>, vector<1x16xf32>,
      %get3A_263 = vector.shape_cast %get3A_262 : vector<1x16xf32> to vector<16xf32>
      %add3A_264 = arith.addf %get3A_259, %get3A_263 : vector<16xf32>
      %get3A_265 = arith.index_cast %scan3A_128 : i32 to index
      %get3A_266 = arith.constant 80 : index
      %get3A_267 = tpu.vector_load %arg11[%get3A_265, %get3A_266] {strides = array<i32>} : memref<128x128xf32, #tpu.memory_space<vmem>>, vector<1x16xf32>,
      %get3A_268 = vector.shape_cast %get3A_267 : vector<1x16xf32> to vector<16xf32>
      %add3A_269 = arith.addf %add3A_264, %get3A_268 : vector<16xf32>
      %get3A_270 = arith.constant 80 : index
      %get3A_271 = tpu.vector_load %arg13[%get3A_270] {strides = array<i32>} : memref<96xf32, #tpu.memory_space<vmem>>, vector<16xf32>,
      %get3A_272 = vector.shape_cast %get3A_271 : vector<16xf32> to vector<16xf32>
      %add3A_273 = arith.addf %add3A_269, %get3A_272 : vector<16xf32>
      %max3A_274 = arith.constant 0.000000e+00 : f32
      %max3A_275 = vector.broadcast %max3A_274 : f32 to vector<16xf32>
      %max3A_276 = arith.maximumf %add3A_273, %max3A_275 : vector<16xf32>
      %swap3A_277 = arith.index_cast %scan3A_128 : i32 to index
      %swap3A_278 = arith.constant 80 : index
      %swap3A_279 = tpu.vector_load %arg12[%swap3A_277, %swap3A_278] {strides = array<i32>} : memref<128x96xf32, #tpu.memory_space<vmem>>, vector<1x16xf32>,
      %swap3A_280 = vector.shape_cast %swap3A_279 : vector<1x16xf32> to vector<16xf32>
      %swap3A_281 = vector.shape_cast %max3A_276 : vector<16xf32> to vector<1x16xf32>
      tpu.vector_store %arg12[%swap3A_277, %swap3A_278], %swap3A_281 {strides = array<i32>} : memref<128x96xf32, #tpu.memory_space<vmem>>, vector<1x16xf32>,
    }
    %scan3A_63 = arith.constant 128 : i32
    "tpu.region"() ({
      %run_scoped3A = tpu.sem_alloc : memref<!tpu.dma_semaphore, #tpu.memory_space<semaphore_mem>>
      %dma_start3A_128 = arith.constant 0 : i32
      %dma_start3A_129 = tpu.memref_slice %arg5[%add3A_33, %dma_start3A_128] : memref<16384x96xf32, #tpu.memory_space<hbm>> -> memref<128x96xf32, #tpu.memory_space<hbm>>
      %dma_start3A_130 = arith.constant 0 : i32
      %dma_start3A_131 = tpu.memref_slice %arg5[%add3A_33, %dma_start3A_130] : memref<16384x96xf32, #tpu.memory_space<hbm>> -> memref<128x96xf32, #tpu.memory_space<hbm>>
      tpu.enqueue_dma source(%arg12 : memref<128x96xf32, #tpu.memory_space<vmem>>) target(%dma_start3A_131 : memref<128x96xf32, #tpu.memory_space<hbm>>) target_semaphore(%run_scoped3A : memref<!tpu.dma_semaphore, #tpu.memory_space<semaphore_mem>>)
      %dma_wait3A_132 = arith.constant 0 : i32
      %dma_wait3A_133 = tpu.memref_slice %arg5[%add3A_33, %dma_wait3A_132] : memref<16384x96xf32, #tpu.memory_space<hbm>> -> memref<128x96xf32, #tpu.memory_space<hbm>>
      %dma_wait3A_134 = arith.constant 0 : i32
      %dma_wait3A_135 = tpu.memref_slice %arg5[%add3A_33, %dma_wait3A_134] : memref<16384x96xf32, #tpu.memory_space<hbm>> -> memref<128x96xf32, #tpu.memory_space<hbm>>
      tpu.wait_dma2 semaphore(%run_scoped3A : memref<!tpu.dma_semaphore, #tpu.memory_space<semaphore_mem>>) src(%arg12 : memref<128x96xf32, #tpu.memory_space<vmem>>) dst(%dma_wait3A_135 : memref<128x96xf32, #tpu.memory_space<hbm>>)
      tpu.yield
    }) : () -> ()
    %add3A_64 = arith.constant 256 : i32
    %add3A_65 = arith.addi %mul3A_2, %add3A_64 : i32
    %add3A_66 = arith.constant 0 : i32
    %add3A_67 = arith.addi %add3A_66, %add3A_65 : i32
    "tpu.region"() ({
      %run_scoped3A = tpu.sem_alloc : memref<!tpu.dma_semaphore, #tpu.memory_space<semaphore_mem>>
      %dma_start3A_128 = tpu.memref_slice %arg3[%add3A_67] : memref<49152xi32, #tpu.memory_space<hbm>> -> memref<128xi32, #tpu.memory_space<hbm>>
      %dma_start3A_129 = tpu.memref_slice %arg3[%add3A_67] : memref<49152xi32, #tpu.memory_space<hbm>> -> memref<128xi32, #tpu.memory_space<hbm>>
      tpu.enqueue_dma source(%dma_start3A_129 : memref<128xi32, #tpu.memory_space<hbm>>) target(%arg6 : memref<128xi32, #tpu.memory_space<vmem>>) target_semaphore(%run_scoped3A : memref<!tpu.dma_semaphore, #tpu.memory_space<semaphore_mem>>)
      %dma_wait3A_130 = tpu.memref_slice %arg3[%add3A_67] : memref<49152xi32, #tpu.memory_space<hbm>> -> memref<128xi32, #tpu.memory_space<hbm>>
      %dma_wait3A_131 = tpu.memref_slice %arg3[%add3A_67] : memref<49152xi32, #tpu.memory_space<hbm>> -> memref<128xi32, #tpu.memory_space<hbm>>
      tpu.wait_dma2 semaphore(%run_scoped3A : memref<!tpu.dma_semaphore, #tpu.memory_space<semaphore_mem>>) src(%dma_wait3A_131 : memref<128xi32, #tpu.memory_space<hbm>>) dst(%arg6 : memref<128xi32, #tpu.memory_space<vmem>>)
      tpu.yield
    }) : () -> ()
    %dma_start3A_68 = arith.constant 0 : i32
    %dma_start3A_69 = arith.constant 0 : i32
    %dma_start3A_70 = tpu.memref_slice %arg2[%dma_start3A_68, %dma_start3A_69] : memref<49152x128xf32, #tpu.memory_space<hbm>> -> memref<49152x128xf32, #tpu.memory_space<hbm>>
    tpu.enqueue_indirect_dma source(%dma_start3A_70 : memref<49152x128xf32, #tpu.memory_space<hbm>>) target(%arg9 : memref<128x128xf32, #tpu.memory_space<vmem>>) offsets(%arg6 : memref<128xi32, #tpu.memory_space<vmem>>) semaphore(%arg14 : memref<!tpu.dma_semaphore, #tpu.memory_space<semaphore_mem>>)
    %add3A_71 = arith.constant 16384 : i32
    %add3A_72 = arith.addi %add3A_71, %add3A_65 : i32
    "tpu.region"() ({
      %run_scoped3A = tpu.sem_alloc : memref<!tpu.dma_semaphore, #tpu.memory_space<semaphore_mem>>
      %dma_start3A_128 = tpu.memref_slice %arg3[%add3A_72] : memref<49152xi32, #tpu.memory_space<hbm>> -> memref<128xi32, #tpu.memory_space<hbm>>
      %dma_start3A_129 = tpu.memref_slice %arg3[%add3A_72] : memref<49152xi32, #tpu.memory_space<hbm>> -> memref<128xi32, #tpu.memory_space<hbm>>
      tpu.enqueue_dma source(%dma_start3A_129 : memref<128xi32, #tpu.memory_space<hbm>>) target(%arg7 : memref<128xi32, #tpu.memory_space<vmem>>) target_semaphore(%run_scoped3A : memref<!tpu.dma_semaphore, #tpu.memory_space<semaphore_mem>>)
      %dma_wait3A_130 = tpu.memref_slice %arg3[%add3A_72] : memref<49152xi32, #tpu.memory_space<hbm>> -> memref<128xi32, #tpu.memory_space<hbm>>
      %dma_wait3A_131 = tpu.memref_slice %arg3[%add3A_72] : memref<49152xi32, #tpu.memory_space<hbm>> -> memref<128xi32, #tpu.memory_space<hbm>>
      tpu.wait_dma2 semaphore(%run_scoped3A : memref<!tpu.dma_semaphore, #tpu.memory_space<semaphore_mem>>) src(%dma_wait3A_131 : memref<128xi32, #tpu.memory_space<hbm>>) dst(%arg7 : memref<128xi32, #tpu.memory_space<vmem>>)
      tpu.yield
    }) : () -> ()
    %dma_start3A_73 = arith.constant 0 : i32
    %dma_start3A_74 = arith.constant 0 : i32
    %dma_start3A_75 = tpu.memref_slice %arg2[%dma_start3A_73, %dma_start3A_74] : memref<49152x128xf32, #tpu.memory_space<hbm>> -> memref<49152x128xf32, #tpu.memory_space<hbm>>
    tpu.enqueue_indirect_dma source(%dma_start3A_75 : memref<49152x128xf32, #tpu.memory_space<hbm>>) target(%arg10 : memref<128x128xf32, #tpu.memory_space<vmem>>) offsets(%arg7 : memref<128xi32, #tpu.memory_space<vmem>>) semaphore(%arg15 : memref<!tpu.dma_semaphore, #tpu.memory_space<semaphore_mem>>)
    %add3A_76 = arith.constant 32768 : i32
    %add3A_77 = arith.addi %add3A_76, %add3A_65 : i32
    "tpu.region"() ({
      %run_scoped3A = tpu.sem_alloc : memref<!tpu.dma_semaphore, #tpu.memory_space<semaphore_mem>>
      %dma_start3A_128 = tpu.memref_slice %arg3[%add3A_77] : memref<49152xi32, #tpu.memory_space<hbm>> -> memref<128xi32, #tpu.memory_space<hbm>>
      %dma_start3A_129 = tpu.memref_slice %arg3[%add3A_77] : memref<49152xi32, #tpu.memory_space<hbm>> -> memref<128xi32, #tpu.memory_space<hbm>>
      tpu.enqueue_dma source(%dma_start3A_129 : memref<128xi32, #tpu.memory_space<hbm>>) target(%arg8 : memref<128xi32, #tpu.memory_space<vmem>>) target_semaphore(%run_scoped3A : memref<!tpu.dma_semaphore, #tpu.memory_space<semaphore_mem>>)
      %dma_wait3A_130 = tpu.memref_slice %arg3[%add3A_77] : memref<49152xi32, #tpu.memory_space<hbm>> -> memref<128xi32, #tpu.memory_space<hbm>>
      %dma_wait3A_131 = tpu.memref_slice %arg3[%add3A_77] : memref<49152xi32, #tpu.memory_space<hbm>> -> memref<128xi32, #tpu.memory_space<hbm>>
      tpu.wait_dma2 semaphore(%run_scoped3A : memref<!tpu.dma_semaphore, #tpu.memory_space<semaphore_mem>>) src(%dma_wait3A_131 : memref<128xi32, #tpu.memory_space<hbm>>) dst(%arg8 : memref<128xi32, #tpu.memory_space<vmem>>)
      tpu.yield
    }) : () -> ()
    %dma_start3A_78 = arith.constant 0 : i32
    %dma_start3A_79 = arith.constant 0 : i32
    %dma_start3A_80 = tpu.memref_slice %arg2[%dma_start3A_78, %dma_start3A_79] : memref<49152x128xf32, #tpu.memory_space<hbm>> -> memref<49152x128xf32, #tpu.memory_space<hbm>>
    tpu.enqueue_indirect_dma source(%dma_start3A_80 : memref<49152x128xf32, #tpu.memory_space<hbm>>) target(%arg11 : memref<128x128xf32, #tpu.memory_space<vmem>>) offsets(%arg8 : memref<128xi32, #tpu.memory_space<vmem>>) semaphore(%arg16 : memref<!tpu.dma_semaphore, #tpu.memory_space<semaphore_mem>>)
    %dma_wait3A_81 = arith.constant 0 : i32
    %dma_wait3A_82 = arith.constant 0 : i32
    %dma_wait3A_83 = tpu.memref_slice %arg2[%dma_wait3A_81, %dma_wait3A_82] : memref<49152x128xf32, #tpu.memory_space<hbm>> -> memref<49152x128xf32, #tpu.memory_space<hbm>>
    tpu.wait_indirect_dma semaphore(%arg14 : memref<!tpu.dma_semaphore, #tpu.memory_space<semaphore_mem>>) src(%dma_wait3A_83 : memref<49152x128xf32, #tpu.memory_space<hbm>>) dst(%arg9 : memref<128x128xf32, #tpu.memory_space<vmem>>)
    %dma_wait3A_84 = arith.constant 0 : i32
    %dma_wait3A_85 = arith.constant 0 : i32
    %dma_wait3A_86 = tpu.memref_slice %arg2[%dma_wait3A_84, %dma_wait3A_85] : memref<49152x128xf32, #tpu.memory_space<hbm>> -> memref<49152x128xf32, #tpu.memory_space<hbm>>
    tpu.wait_indirect_dma semaphore(%arg15 : memref<!tpu.dma_semaphore, #tpu.memory_space<semaphore_mem>>) src(%dma_wait3A_86 : memref<49152x128xf32, #tpu.memory_space<hbm>>) dst(%arg10 : memref<128x128xf32, #tpu.memory_space<vmem>>)
    %dma_wait3A_87 = arith.constant 0 : i32
    %dma_wait3A_88 = arith.constant 0 : i32
    %dma_wait3A_89 = tpu.memref_slice %arg2[%dma_wait3A_87, %dma_wait3A_88] : memref<49152x128xf32, #tpu.memory_space<hbm>> -> memref<49152x128xf32, #tpu.memory_space<hbm>>
    tpu.wait_indirect_dma semaphore(%arg16 : memref<!tpu.dma_semaphore, #tpu.memory_space<semaphore_mem>>) src(%dma_wait3A_89 : memref<49152x128xf32, #tpu.memory_space<hbm>>) dst(%arg11 : memref<128x128xf32, #tpu.memory_space<vmem>>)
    %scan3A_90 = arith.constant 0 : i32
    %scan3A_91 = arith.constant 0 : i32
    %scan3A_92 = arith.constant 128 : i32
    %scan3A_93 = arith.addi %scan3A_91, %scan3A_92 : i32
    %scan3A_94 = arith.constant 1 : i32
    scf.for %scan3A_128 = %scan3A_91 to %scan3A_93 step %scan3A_94  : i32 {
      %get3A = arith.index_cast %scan3A_128 : i32 to index
      %get3A_129 = arith.constant 0 : index
      %get3A_130 = tpu.vector_load %arg9[%get3A, %get3A_129] {strides = array<i32>} : memref<128x128xf32, #tpu.memory_space<vmem>>, vector<1x16xf32>,
      %get3A_131 = vector.shape_cast %get3A_130 : vector<1x16xf32> to vector<16xf32>
      %get3A_132 = arith.index_cast %scan3A_128 : i32 to index
      %get3A_133 = arith.constant 0 : index
      %get3A_134 = tpu.vector_load %arg10[%get3A_132, %get3A_133] {strides = array<i32>} : memref<128x128xf32, #tpu.memory_space<vmem>>, vector<1x16xf32>,
      %get3A_135 = vector.shape_cast %get3A_134 : vector<1x16xf32> to vector<16xf32>
      %add3A_136 = arith.addf %get3A_131, %get3A_135 : vector<16xf32>
      %get3A_137 = arith.index_cast %scan3A_128 : i32 to index
      %get3A_138 = arith.constant 0 : index
      %get3A_139 = tpu.vector_load %arg11[%get3A_137, %get3A_138] {strides = array<i32>} : memref<128x128xf32, #tpu.memory_space<vmem>>, vector<1x16xf32>,
      %get3A_140 = vector.shape_cast %get3A_139 : vector<1x16xf32> to vector<16xf32>
      %add3A_141 = arith.addf %add3A_136, %get3A_140 : vector<16xf32>
      %get3A_142 = arith.constant 0 : index
      %get3A_143 = tpu.vector_load %arg13[%get3A_142] {strides = array<i32>} : memref<96xf32, #tpu.memory_space<vmem>>, vector<16xf32>,
      %get3A_144 = vector.shape_cast %get3A_143 : vector<16xf32> to vector<16xf32>
      %add3A_145 = arith.addf %add3A_141, %get3A_144 : vector<16xf32>
      %max3A = arith.constant 0.000000e+00 : f32
      %max3A_146 = vector.broadcast %max3A : f32 to vector<16xf32>
      %max3A_147 = arith.maximumf %add3A_145, %max3A_146 : vector<16xf32>
      %swap3A = arith.index_cast %scan3A_128 : i32 to index
      %swap3A_148 = arith.constant 0 : index
      %swap3A_149 = tpu.vector_load %arg12[%swap3A, %swap3A_148] {strides = array<i32>} : memref<128x96xf32, #tpu.memory_space<vmem>>, vector<1x16xf32>,
      %swap3A_150 = vector.shape_cast %swap3A_149 : vector<1x16xf32> to vector<16xf32>
      %swap3A_151 = vector.shape_cast %max3A_147 : vector<16xf32> to vector<1x16xf32>
      tpu.vector_store %arg12[%swap3A, %swap3A_148], %swap3A_151 {strides = array<i32>} : memref<128x96xf32, #tpu.memory_space<vmem>>, vector<1x16xf32>,
      %get3A_152 = arith.index_cast %scan3A_128 : i32 to index
      %get3A_153 = arith.constant 16 : index
      %get3A_154 = tpu.vector_load %arg9[%get3A_152, %get3A_153] {strides = array<i32>} : memref<128x128xf32, #tpu.memory_space<vmem>>, vector<1x16xf32>,
      %get3A_155 = vector.shape_cast %get3A_154 : vector<1x16xf32> to vector<16xf32>
      %get3A_156 = arith.index_cast %scan3A_128 : i32 to index
      %get3A_157 = arith.constant 16 : index
      %get3A_158 = tpu.vector_load %arg10[%get3A_156, %get3A_157] {strides = array<i32>} : memref<128x128xf32, #tpu.memory_space<vmem>>, vector<1x16xf32>,
      %get3A_159 = vector.shape_cast %get3A_158 : vector<1x16xf32> to vector<16xf32>
      %add3A_160 = arith.addf %get3A_155, %get3A_159 : vector<16xf32>
      %get3A_161 = arith.index_cast %scan3A_128 : i32 to index
      %get3A_162 = arith.constant 16 : index
      %get3A_163 = tpu.vector_load %arg11[%get3A_161, %get3A_162] {strides = array<i32>} : memref<128x128xf32, #tpu.memory_space<vmem>>, vector<1x16xf32>,
      %get3A_164 = vector.shape_cast %get3A_163 : vector<1x16xf32> to vector<16xf32>
      %add3A_165 = arith.addf %add3A_160, %get3A_164 : vector<16xf32>
      %get3A_166 = arith.constant 16 : index
      %get3A_167 = tpu.vector_load %arg13[%get3A_166] {strides = array<i32>} : memref<96xf32, #tpu.memory_space<vmem>>, vector<16xf32>,
      %get3A_168 = vector.shape_cast %get3A_167 : vector<16xf32> to vector<16xf32>
      %add3A_169 = arith.addf %add3A_165, %get3A_168 : vector<16xf32>
      %max3A_170 = arith.constant 0.000000e+00 : f32
      %max3A_171 = vector.broadcast %max3A_170 : f32 to vector<16xf32>
      %max3A_172 = arith.maximumf %add3A_169, %max3A_171 : vector<16xf32>
      %swap3A_173 = arith.index_cast %scan3A_128 : i32 to index
      %swap3A_174 = arith.constant 16 : index
      %swap3A_175 = tpu.vector_load %arg12[%swap3A_173, %swap3A_174] {strides = array<i32>} : memref<128x96xf32, #tpu.memory_space<vmem>>, vector<1x16xf32>,
      %swap3A_176 = vector.shape_cast %swap3A_175 : vector<1x16xf32> to vector<16xf32>
      %swap3A_177 = vector.shape_cast %max3A_172 : vector<16xf32> to vector<1x16xf32>
      tpu.vector_store %arg12[%swap3A_173, %swap3A_174], %swap3A_177 {strides = array<i32>} : memref<128x96xf32, #tpu.memory_space<vmem>>, vector<1x16xf32>,
      %get3A_178 = arith.index_cast %scan3A_128 : i32 to index
      %get3A_179 = arith.constant 32 : index
      %get3A_180 = tpu.vector_load %arg9[%get3A_178, %get3A_179] {strides = array<i32>} : memref<128x128xf32, #tpu.memory_space<vmem>>, vector<1x16xf32>,
      %get3A_181 = vector.shape_cast %get3A_180 : vector<1x16xf32> to vector<16xf32>
      %get3A_182 = arith.index_cast %scan3A_128 : i32 to index
      %get3A_183 = arith.constant 32 : index
      %get3A_184 = tpu.vector_load %arg10[%get3A_182, %get3A_183] {strides = array<i32>} : memref<128x128xf32, #tpu.memory_space<vmem>>, vector<1x16xf32>,
      %get3A_185 = vector.shape_cast %get3A_184 : vector<1x16xf32> to vector<16xf32>
      %add3A_186 = arith.addf %get3A_181, %get3A_185 : vector<16xf32>
      %get3A_187 = arith.index_cast %scan3A_128 : i32 to index
      %get3A_188 = arith.constant 32 : index
      %get3A_189 = tpu.vector_load %arg11[%get3A_187, %get3A_188] {strides = array<i32>} : memref<128x128xf32, #tpu.memory_space<vmem>>, vector<1x16xf32>,
      %get3A_190 = vector.shape_cast %get3A_189 : vector<1x16xf32> to vector<16xf32>
      %add3A_191 = arith.addf %add3A_186, %get3A_190 : vector<16xf32>
      %get3A_192 = arith.constant 32 : index
      %get3A_193 = tpu.vector_load %arg13[%get3A_192] {strides = array<i32>} : memref<96xf32, #tpu.memory_space<vmem>>, vector<16xf32>,
      %get3A_194 = vector.shape_cast %get3A_193 : vector<16xf32> to vector<16xf32>
      %add3A_195 = arith.addf %add3A_191, %get3A_194 : vector<16xf32>
      %max3A_196 = arith.constant 0.000000e+00 : f32
      %max3A_197 = vector.broadcast %max3A_196 : f32 to vector<16xf32>
      %max3A_198 = arith.maximumf %add3A_195, %max3A_197 : vector<16xf32>
      %swap3A_199 = arith.index_cast %scan3A_128 : i32 to index
      %swap3A_200 = arith.constant 32 : index
      %swap3A_201 = tpu.vector_load %arg12[%swap3A_199, %swap3A_200] {strides = array<i32>} : memref<128x96xf32, #tpu.memory_space<vmem>>, vector<1x16xf32>,
      %swap3A_202 = vector.shape_cast %swap3A_201 : vector<1x16xf32> to vector<16xf32>
      %swap3A_203 = vector.shape_cast %max3A_198 : vector<16xf32> to vector<1x16xf32>
      tpu.vector_store %arg12[%swap3A_199, %swap3A_200], %swap3A_203 {strides = array<i32>} : memref<128x96xf32, #tpu.memory_space<vmem>>, vector<1x16xf32>,
      %get3A_204 = arith.index_cast %scan3A_128 : i32 to index
      %get3A_205 = arith.constant 48 : index
      %get3A_206 = tpu.vector_load %arg9[%get3A_204, %get3A_205] {strides = array<i32>} : memref<128x128xf32, #tpu.memory_space<vmem>>, vector<1x16xf32>,
      %get3A_207 = vector.shape_cast %get3A_206 : vector<1x16xf32> to vector<16xf32>
      %get3A_208 = arith.index_cast %scan3A_128 : i32 to index
      %get3A_209 = arith.constant 48 : index
      %get3A_210 = tpu.vector_load %arg10[%get3A_208, %get3A_209] {strides = array<i32>} : memref<128x128xf32, #tpu.memory_space<vmem>>, vector<1x16xf32>,
      %get3A_211 = vector.shape_cast %get3A_210 : vector<1x16xf32> to vector<16xf32>
      %add3A_212 = arith.addf %get3A_207, %get3A_211 : vector<16xf32>
      %get3A_213 = arith.index_cast %scan3A_128 : i32 to index
      %get3A_214 = arith.constant 48 : index
      %get3A_215 = tpu.vector_load %arg11[%get3A_213, %get3A_214] {strides = array<i32>} : memref<128x128xf32, #tpu.memory_space<vmem>>, vector<1x16xf32>,
      %get3A_216 = vector.shape_cast %get3A_215 : vector<1x16xf32> to vector<16xf32>
      %add3A_217 = arith.addf %add3A_212, %get3A_216 : vector<16xf32>
      %get3A_218 = arith.constant 48 : index
      %get3A_219 = tpu.vector_load %arg13[%get3A_218] {strides = array<i32>} : memref<96xf32, #tpu.memory_space<vmem>>, vector<16xf32>,
      %get3A_220 = vector.shape_cast %get3A_219 : vector<16xf32> to vector<16xf32>
      %add3A_221 = arith.addf %add3A_217, %get3A_220 : vector<16xf32>
      %max3A_222 = arith.constant 0.000000e+00 : f32
      %max3A_223 = vector.broadcast %max3A_222 : f32 to vector<16xf32>
      %max3A_224 = arith.maximumf %add3A_221, %max3A_223 : vector<16xf32>
      %swap3A_225 = arith.index_cast %scan3A_128 : i32 to index
      %swap3A_226 = arith.constant 48 : index
      %swap3A_227 = tpu.vector_load %arg12[%swap3A_225, %swap3A_226] {strides = array<i32>} : memref<128x96xf32, #tpu.memory_space<vmem>>, vector<1x16xf32>,
      %swap3A_228 = vector.shape_cast %swap3A_227 : vector<1x16xf32> to vector<16xf32>
      %swap3A_229 = vector.shape_cast %max3A_224 : vector<16xf32> to vector<1x16xf32>
      tpu.vector_store %arg12[%swap3A_225, %swap3A_226], %swap3A_229 {strides = array<i32>} : memref<128x96xf32, #tpu.memory_space<vmem>>, vector<1x16xf32>,
      %get3A_230 = arith.index_cast %scan3A_128 : i32 to index
      %get3A_231 = arith.constant 64 : index
      %get3A_232 = tpu.vector_load %arg9[%get3A_230, %get3A_231] {strides = array<i32>} : memref<128x128xf32, #tpu.memory_space<vmem>>, vector<1x16xf32>,
      %get3A_233 = vector.shape_cast %get3A_232 : vector<1x16xf32> to vector<16xf32>
      %get3A_234 = arith.index_cast %scan3A_128 : i32 to index
      %get3A_235 = arith.constant 64 : index
      %get3A_236 = tpu.vector_load %arg10[%get3A_234, %get3A_235] {strides = array<i32>} : memref<128x128xf32, #tpu.memory_space<vmem>>, vector<1x16xf32>,
      %get3A_237 = vector.shape_cast %get3A_236 : vector<1x16xf32> to vector<16xf32>
      %add3A_238 = arith.addf %get3A_233, %get3A_237 : vector<16xf32>
      %get3A_239 = arith.index_cast %scan3A_128 : i32 to index
      %get3A_240 = arith.constant 64 : index
      %get3A_241 = tpu.vector_load %arg11[%get3A_239, %get3A_240] {strides = array<i32>} : memref<128x128xf32, #tpu.memory_space<vmem>>, vector<1x16xf32>,
      %get3A_242 = vector.shape_cast %get3A_241 : vector<1x16xf32> to vector<16xf32>
      %add3A_243 = arith.addf %add3A_238, %get3A_242 : vector<16xf32>
      %get3A_244 = arith.constant 64 : index
      %get3A_245 = tpu.vector_load %arg13[%get3A_244] {strides = array<i32>} : memref<96xf32, #tpu.memory_space<vmem>>, vector<16xf32>,
      %get3A_246 = vector.shape_cast %get3A_245 : vector<16xf32> to vector<16xf32>
      %add3A_247 = arith.addf %add3A_243, %get3A_246 : vector<16xf32>
      %max3A_248 = arith.constant 0.000000e+00 : f32
      %max3A_249 = vector.broadcast %max3A_248 : f32 to vector<16xf32>
      %max3A_250 = arith.maximumf %add3A_247, %max3A_249 : vector<16xf32>
      %swap3A_251 = arith.index_cast %scan3A_128 : i32 to index
      %swap3A_252 = arith.constant 64 : index
      %swap3A_253 = tpu.vector_load %arg12[%swap3A_251, %swap3A_252] {strides = array<i32>} : memref<128x96xf32, #tpu.memory_space<vmem>>, vector<1x16xf32>,
      %swap3A_254 = vector.shape_cast %swap3A_253 : vector<1x16xf32> to vector<16xf32>
      %swap3A_255 = vector.shape_cast %max3A_250 : vector<16xf32> to vector<1x16xf32>
      tpu.vector_store %arg12[%swap3A_251, %swap3A_252], %swap3A_255 {strides = array<i32>} : memref<128x96xf32, #tpu.memory_space<vmem>>, vector<1x16xf32>,
      %get3A_256 = arith.index_cast %scan3A_128 : i32 to index
      %get3A_257 = arith.constant 80 : index
      %get3A_258 = tpu.vector_load %arg9[%get3A_256, %get3A_257] {strides = array<i32>} : memref<128x128xf32, #tpu.memory_space<vmem>>, vector<1x16xf32>,
      %get3A_259 = vector.shape_cast %get3A_258 : vector<1x16xf32> to vector<16xf32>
      %get3A_260 = arith.index_cast %scan3A_128 : i32 to index
      %get3A_261 = arith.constant 80 : index
      %get3A_262 = tpu.vector_load %arg10[%get3A_260, %get3A_261] {strides = array<i32>} : memref<128x128xf32, #tpu.memory_space<vmem>>, vector<1x16xf32>,
      %get3A_263 = vector.shape_cast %get3A_262 : vector<1x16xf32> to vector<16xf32>
      %add3A_264 = arith.addf %get3A_259, %get3A_263 : vector<16xf32>
      %get3A_265 = arith.index_cast %scan3A_128 : i32 to index
      %get3A_266 = arith.constant 80 : index
      %get3A_267 = tpu.vector_load %arg11[%get3A_265, %get3A_266] {strides = array<i32>} : memref<128x128xf32, #tpu.memory_space<vmem>>, vector<1x16xf32>,
      %get3A_268 = vector.shape_cast %get3A_267 : vector<1x16xf32> to vector<16xf32>
      %add3A_269 = arith.addf %add3A_264, %get3A_268 : vector<16xf32>
      %get3A_270 = arith.constant 80 : index
      %get3A_271 = tpu.vector_load %arg13[%get3A_270] {strides = array<i32>} : memref<96xf32, #tpu.memory_space<vmem>>, vector<16xf32>,
      %get3A_272 = vector.shape_cast %get3A_271 : vector<16xf32> to vector<16xf32>
      %add3A_273 = arith.addf %add3A_269, %get3A_272 : vector<16xf32>
      %max3A_274 = arith.constant 0.000000e+00 : f32
      %max3A_275 = vector.broadcast %max3A_274 : f32 to vector<16xf32>
      %max3A_276 = arith.maximumf %add3A_273, %max3A_275 : vector<16xf32>
      %swap3A_277 = arith.index_cast %scan3A_128 : i32 to index
      %swap3A_278 = arith.constant 80 : index
      %swap3A_279 = tpu.vector_load %arg12[%swap3A_277, %swap3A_278] {strides = array<i32>} : memref<128x96xf32, #tpu.memory_space<vmem>>, vector<1x16xf32>,
      %swap3A_280 = vector.shape_cast %swap3A_279 : vector<1x16xf32> to vector<16xf32>
      %swap3A_281 = vector.shape_cast %max3A_276 : vector<16xf32> to vector<1x16xf32>
      tpu.vector_store %arg12[%swap3A_277, %swap3A_278], %swap3A_281 {strides = array<i32>} : memref<128x96xf32, #tpu.memory_space<vmem>>, vector<1x16xf32>,
    }
    %scan3A_95 = arith.constant 128 : i32
    "tpu.region"() ({
      %run_scoped3A = tpu.sem_alloc : memref<!tpu.dma_semaphore, #tpu.memory_space<semaphore_mem>>
      %dma_start3A_128 = arith.constant 0 : i32
      %dma_start3A_129 = tpu.memref_slice %arg5[%add3A_65, %dma_start3A_128] : memref<16384x96xf32, #tpu.memory_space<hbm>> -> memref<128x96xf32, #tpu.memory_space<hbm>>
      %dma_start3A_130 = arith.constant 0 : i32
      %dma_start3A_131 = tpu.memref_slice %arg5[%add3A_65, %dma_start3A_130] : memref<16384x96xf32, #tpu.memory_space<hbm>> -> memref<128x96xf32, #tpu.memory_space<hbm>>
      tpu.enqueue_dma source(%arg12 : memref<128x96xf32, #tpu.memory_space<vmem>>) target(%dma_start3A_131 : memref<128x96xf32, #tpu.memory_space<hbm>>) target_semaphore(%run_scoped3A : memref<!tpu.dma_semaphore, #tpu.memory_space<semaphore_mem>>)
      %dma_wait3A_132 = arith.constant 0 : i32
      %dma_wait3A_133 = tpu.memref_slice %arg5[%add3A_65, %dma_wait3A_132] : memref<16384x96xf32, #tpu.memory_space<hbm>> -> memref<128x96xf32, #tpu.memory_space<hbm>>
      %dma_wait3A_134 = arith.constant 0 : i32
      %dma_wait3A_135 = tpu.memref_slice %arg5[%add3A_65, %dma_wait3A_134] : memref<16384x96xf32, #tpu.memory_space<hbm>> -> memref<128x96xf32, #tpu.memory_space<hbm>>
      tpu.wait_dma2 semaphore(%run_scoped3A : memref<!tpu.dma_semaphore, #tpu.memory_space<semaphore_mem>>) src(%arg12 : memref<128x96xf32, #tpu.memory_space<vmem>>) dst(%dma_wait3A_135 : memref<128x96xf32, #tpu.memory_space<hbm>>)
      tpu.yield
    }) : () -> ()
    %add3A_96 = arith.constant 384 : i32
    %add3A_97 = arith.addi %mul3A_2, %add3A_96 : i32
    %add3A_98 = arith.constant 0 : i32
    %add3A_99 = arith.addi %add3A_98, %add3A_97 : i32
    "tpu.region"() ({
      %run_scoped3A = tpu.sem_alloc : memref<!tpu.dma_semaphore, #tpu.memory_space<semaphore_mem>>
      %dma_start3A_128 = tpu.memref_slice %arg3[%add3A_99] : memref<49152xi32, #tpu.memory_space<hbm>> -> memref<128xi32, #tpu.memory_space<hbm>>
      %dma_start3A_129 = tpu.memref_slice %arg3[%add3A_99] : memref<49152xi32, #tpu.memory_space<hbm>> -> memref<128xi32, #tpu.memory_space<hbm>>
      tpu.enqueue_dma source(%dma_start3A_129 : memref<128xi32, #tpu.memory_space<hbm>>) target(%arg6 : memref<128xi32, #tpu.memory_space<vmem>>) target_semaphore(%run_scoped3A : memref<!tpu.dma_semaphore, #tpu.memory_space<semaphore_mem>>)
      %dma_wait3A_130 = tpu.memref_slice %arg3[%add3A_99] : memref<49152xi32, #tpu.memory_space<hbm>> -> memref<128xi32, #tpu.memory_space<hbm>>
      %dma_wait3A_131 = tpu.memref_slice %arg3[%add3A_99] : memref<49152xi32, #tpu.memory_space<hbm>> -> memref<128xi32, #tpu.memory_space<hbm>>
      tpu.wait_dma2 semaphore(%run_scoped3A : memref<!tpu.dma_semaphore, #tpu.memory_space<semaphore_mem>>) src(%dma_wait3A_131 : memref<128xi32, #tpu.memory_space<hbm>>) dst(%arg6 : memref<128xi32, #tpu.memory_space<vmem>>)
      tpu.yield
    }) : () -> ()
    %dma_start3A_100 = arith.constant 0 : i32
    %dma_start3A_101 = arith.constant 0 : i32
    %dma_start3A_102 = tpu.memref_slice %arg2[%dma_start3A_100, %dma_start3A_101] : memref<49152x128xf32, #tpu.memory_space<hbm>> -> memref<49152x128xf32, #tpu.memory_space<hbm>>
    tpu.enqueue_indirect_dma source(%dma_start3A_102 : memref<49152x128xf32, #tpu.memory_space<hbm>>) target(%arg9 : memref<128x128xf32, #tpu.memory_space<vmem>>) offsets(%arg6 : memref<128xi32, #tpu.memory_space<vmem>>) semaphore(%arg14 : memref<!tpu.dma_semaphore, #tpu.memory_space<semaphore_mem>>)
    %add3A_103 = arith.constant 16384 : i32
    %add3A_104 = arith.addi %add3A_103, %add3A_97 : i32
    "tpu.region"() ({
      %run_scoped3A = tpu.sem_alloc : memref<!tpu.dma_semaphore, #tpu.memory_space<semaphore_mem>>
      %dma_start3A_128 = tpu.memref_slice %arg3[%add3A_104] : memref<49152xi32, #tpu.memory_space<hbm>> -> memref<128xi32, #tpu.memory_space<hbm>>
      %dma_start3A_129 = tpu.memref_slice %arg3[%add3A_104] : memref<49152xi32, #tpu.memory_space<hbm>> -> memref<128xi32, #tpu.memory_space<hbm>>
      tpu.enqueue_dma source(%dma_start3A_129 : memref<128xi32, #tpu.memory_space<hbm>>) target(%arg7 : memref<128xi32, #tpu.memory_space<vmem>>) target_semaphore(%run_scoped3A : memref<!tpu.dma_semaphore, #tpu.memory_space<semaphore_mem>>)
      %dma_wait3A_130 = tpu.memref_slice %arg3[%add3A_104] : memref<49152xi32, #tpu.memory_space<hbm>> -> memref<128xi32, #tpu.memory_space<hbm>>
      %dma_wait3A_131 = tpu.memref_slice %arg3[%add3A_104] : memref<49152xi32, #tpu.memory_space<hbm>> -> memref<128xi32, #tpu.memory_space<hbm>>
      tpu.wait_dma2 semaphore(%run_scoped3A : memref<!tpu.dma_semaphore, #tpu.memory_space<semaphore_mem>>) src(%dma_wait3A_131 : memref<128xi32, #tpu.memory_space<hbm>>) dst(%arg7 : memref<128xi32, #tpu.memory_space<vmem>>)
      tpu.yield
    }) : () -> ()
    %dma_start3A_105 = arith.constant 0 : i32
    %dma_start3A_106 = arith.constant 0 : i32
    %dma_start3A_107 = tpu.memref_slice %arg2[%dma_start3A_105, %dma_start3A_106] : memref<49152x128xf32, #tpu.memory_space<hbm>> -> memref<49152x128xf32, #tpu.memory_space<hbm>>
    tpu.enqueue_indirect_dma source(%dma_start3A_107 : memref<49152x128xf32, #tpu.memory_space<hbm>>) target(%arg10 : memref<128x128xf32, #tpu.memory_space<vmem>>) offsets(%arg7 : memref<128xi32, #tpu.memory_space<vmem>>) semaphore(%arg15 : memref<!tpu.dma_semaphore, #tpu.memory_space<semaphore_mem>>)
    %add3A_108 = arith.constant 32768 : i32
    %add3A_109 = arith.addi %add3A_108, %add3A_97 : i32
    "tpu.region"() ({
      %run_scoped3A = tpu.sem_alloc : memref<!tpu.dma_semaphore, #tpu.memory_space<semaphore_mem>>
      %dma_start3A_128 = tpu.memref_slice %arg3[%add3A_109] : memref<49152xi32, #tpu.memory_space<hbm>> -> memref<128xi32, #tpu.memory_space<hbm>>
      %dma_start3A_129 = tpu.memref_slice %arg3[%add3A_109] : memref<49152xi32, #tpu.memory_space<hbm>> -> memref<128xi32, #tpu.memory_space<hbm>>
      tpu.enqueue_dma source(%dma_start3A_129 : memref<128xi32, #tpu.memory_space<hbm>>) target(%arg8 : memref<128xi32, #tpu.memory_space<vmem>>) target_semaphore(%run_scoped3A : memref<!tpu.dma_semaphore, #tpu.memory_space<semaphore_mem>>)
      %dma_wait3A_130 = tpu.memref_slice %arg3[%add3A_109] : memref<49152xi32, #tpu.memory_space<hbm>> -> memref<128xi32, #tpu.memory_space<hbm>>
      %dma_wait3A_131 = tpu.memref_slice %arg3[%add3A_109] : memref<49152xi32, #tpu.memory_space<hbm>> -> memref<128xi32, #tpu.memory_space<hbm>>
      tpu.wait_dma2 semaphore(%run_scoped3A : memref<!tpu.dma_semaphore, #tpu.memory_space<semaphore_mem>>) src(%dma_wait3A_131 : memref<128xi32, #tpu.memory_space<hbm>>) dst(%arg8 : memref<128xi32, #tpu.memory_space<vmem>>)
      tpu.yield
    }) : () -> ()
    %dma_start3A_110 = arith.constant 0 : i32
    %dma_start3A_111 = arith.constant 0 : i32
    %dma_start3A_112 = tpu.memref_slice %arg2[%dma_start3A_110, %dma_start3A_111] : memref<49152x128xf32, #tpu.memory_space<hbm>> -> memref<49152x128xf32, #tpu.memory_space<hbm>>
    tpu.enqueue_indirect_dma source(%dma_start3A_112 : memref<49152x128xf32, #tpu.memory_space<hbm>>) target(%arg11 : memref<128x128xf32, #tpu.memory_space<vmem>>) offsets(%arg8 : memref<128xi32, #tpu.memory_space<vmem>>) semaphore(%arg16 : memref<!tpu.dma_semaphore, #tpu.memory_space<semaphore_mem>>)
    %dma_wait3A_113 = arith.constant 0 : i32
    %dma_wait3A_114 = arith.constant 0 : i32
    %dma_wait3A_115 = tpu.memref_slice %arg2[%dma_wait3A_113, %dma_wait3A_114] : memref<49152x128xf32, #tpu.memory_space<hbm>> -> memref<49152x128xf32, #tpu.memory_space<hbm>>
    tpu.wait_indirect_dma semaphore(%arg14 : memref<!tpu.dma_semaphore, #tpu.memory_space<semaphore_mem>>) src(%dma_wait3A_115 : memref<49152x128xf32, #tpu.memory_space<hbm>>) dst(%arg9 : memref<128x128xf32, #tpu.memory_space<vmem>>)
    %dma_wait3A_116 = arith.constant 0 : i32
    %dma_wait3A_117 = arith.constant 0 : i32
    %dma_wait3A_118 = tpu.memref_slice %arg2[%dma_wait3A_116, %dma_wait3A_117] : memref<49152x128xf32, #tpu.memory_space<hbm>> -> memref<49152x128xf32, #tpu.memory_space<hbm>>
    tpu.wait_indirect_dma semaphore(%arg15 : memref<!tpu.dma_semaphore, #tpu.memory_space<semaphore_mem>>) src(%dma_wait3A_118 : memref<49152x128xf32, #tpu.memory_space<hbm>>) dst(%arg10 : memref<128x128xf32, #tpu.memory_space<vmem>>)
    %dma_wait3A_119 = arith.constant 0 : i32
    %dma_wait3A_120 = arith.constant 0 : i32
    %dma_wait3A_121 = tpu.memref_slice %arg2[%dma_wait3A_119, %dma_wait3A_120] : memref<49152x128xf32, #tpu.memory_space<hbm>> -> memref<49152x128xf32, #tpu.memory_space<hbm>>
    tpu.wait_indirect_dma semaphore(%arg16 : memref<!tpu.dma_semaphore, #tpu.memory_space<semaphore_mem>>) src(%dma_wait3A_121 : memref<49152x128xf32, #tpu.memory_space<hbm>>) dst(%arg11 : memref<128x128xf32, #tpu.memory_space<vmem>>)
    %scan3A_122 = arith.constant 0 : i32
    %scan3A_123 = arith.constant 0 : i32
    %scan3A_124 = arith.constant 128 : i32
    %scan3A_125 = arith.addi %scan3A_123, %scan3A_124 : i32
    %scan3A_126 = arith.constant 1 : i32
    scf.for %scan3A_128 = %scan3A_123 to %scan3A_125 step %scan3A_126  : i32 {
      %get3A = arith.index_cast %scan3A_128 : i32 to index
      %get3A_129 = arith.constant 0 : index
      %get3A_130 = tpu.vector_load %arg9[%get3A, %get3A_129] {strides = array<i32>} : memref<128x128xf32, #tpu.memory_space<vmem>>, vector<1x16xf32>,
      %get3A_131 = vector.shape_cast %get3A_130 : vector<1x16xf32> to vector<16xf32>
      %get3A_132 = arith.index_cast %scan3A_128 : i32 to index
      %get3A_133 = arith.constant 0 : index
      %get3A_134 = tpu.vector_load %arg10[%get3A_132, %get3A_133] {strides = array<i32>} : memref<128x128xf32, #tpu.memory_space<vmem>>, vector<1x16xf32>,
      %get3A_135 = vector.shape_cast %get3A_134 : vector<1x16xf32> to vector<16xf32>
      %add3A_136 = arith.addf %get3A_131, %get3A_135 : vector<16xf32>
      %get3A_137 = arith.index_cast %scan3A_128 : i32 to index
      %get3A_138 = arith.constant 0 : index
      %get3A_139 = tpu.vector_load %arg11[%get3A_137, %get3A_138] {strides = array<i32>} : memref<128x128xf32, #tpu.memory_space<vmem>>, vector<1x16xf32>,
      %get3A_140 = vector.shape_cast %get3A_139 : vector<1x16xf32> to vector<16xf32>
      %add3A_141 = arith.addf %add3A_136, %get3A_140 : vector<16xf32>
      %get3A_142 = arith.constant 0 : index
      %get3A_143 = tpu.vector_load %arg13[%get3A_142] {strides = array<i32>} : memref<96xf32, #tpu.memory_space<vmem>>, vector<16xf32>,
      %get3A_144 = vector.shape_cast %get3A_143 : vector<16xf32> to vector<16xf32>
      %add3A_145 = arith.addf %add3A_141, %get3A_144 : vector<16xf32>
      %max3A = arith.constant 0.000000e+00 : f32
      %max3A_146 = vector.broadcast %max3A : f32 to vector<16xf32>
      %max3A_147 = arith.maximumf %add3A_145, %max3A_146 : vector<16xf32>
      %swap3A = arith.index_cast %scan3A_128 : i32 to index
      %swap3A_148 = arith.constant 0 : index
      %swap3A_149 = tpu.vector_load %arg12[%swap3A, %swap3A_148] {strides = array<i32>} : memref<128x96xf32, #tpu.memory_space<vmem>>, vector<1x16xf32>,
      %swap3A_150 = vector.shape_cast %swap3A_149 : vector<1x16xf32> to vector<16xf32>
      %swap3A_151 = vector.shape_cast %max3A_147 : vector<16xf32> to vector<1x16xf32>
      tpu.vector_store %arg12[%swap3A, %swap3A_148], %swap3A_151 {strides = array<i32>} : memref<128x96xf32, #tpu.memory_space<vmem>>, vector<1x16xf32>,
      %get3A_152 = arith.index_cast %scan3A_128 : i32 to index
      %get3A_153 = arith.constant 16 : index
      %get3A_154 = tpu.vector_load %arg9[%get3A_152, %get3A_153] {strides = array<i32>} : memref<128x128xf32, #tpu.memory_space<vmem>>, vector<1x16xf32>,
      %get3A_155 = vector.shape_cast %get3A_154 : vector<1x16xf32> to vector<16xf32>
      %get3A_156 = arith.index_cast %scan3A_128 : i32 to index
      %get3A_157 = arith.constant 16 : index
      %get3A_158 = tpu.vector_load %arg10[%get3A_156, %get3A_157] {strides = array<i32>} : memref<128x128xf32, #tpu.memory_space<vmem>>, vector<1x16xf32>,
      %get3A_159 = vector.shape_cast %get3A_158 : vector<1x16xf32> to vector<16xf32>
      %add3A_160 = arith.addf %get3A_155, %get3A_159 : vector<16xf32>
      %get3A_161 = arith.index_cast %scan3A_128 : i32 to index
      %get3A_162 = arith.constant 16 : index
      %get3A_163 = tpu.vector_load %arg11[%get3A_161, %get3A_162] {strides = array<i32>} : memref<128x128xf32, #tpu.memory_space<vmem>>, vector<1x16xf32>,
      %get3A_164 = vector.shape_cast %get3A_163 : vector<1x16xf32> to vector<16xf32>
      %add3A_165 = arith.addf %add3A_160, %get3A_164 : vector<16xf32>
      %get3A_166 = arith.constant 16 : index
      %get3A_167 = tpu.vector_load %arg13[%get3A_166] {strides = array<i32>} : memref<96xf32, #tpu.memory_space<vmem>>, vector<16xf32>,
      %get3A_168 = vector.shape_cast %get3A_167 : vector<16xf32> to vector<16xf32>
      %add3A_169 = arith.addf %add3A_165, %get3A_168 : vector<16xf32>
      %max3A_170 = arith.constant 0.000000e+00 : f32
      %max3A_171 = vector.broadcast %max3A_170 : f32 to vector<16xf32>
      %max3A_172 = arith.maximumf %add3A_169, %max3A_171 : vector<16xf32>
      %swap3A_173 = arith.index_cast %scan3A_128 : i32 to index
      %swap3A_174 = arith.constant 16 : index
      %swap3A_175 = tpu.vector_load %arg12[%swap3A_173, %swap3A_174] {strides = array<i32>} : memref<128x96xf32, #tpu.memory_space<vmem>>, vector<1x16xf32>,
      %swap3A_176 = vector.shape_cast %swap3A_175 : vector<1x16xf32> to vector<16xf32>
      %swap3A_177 = vector.shape_cast %max3A_172 : vector<16xf32> to vector<1x16xf32>
      tpu.vector_store %arg12[%swap3A_173, %swap3A_174], %swap3A_177 {strides = array<i32>} : memref<128x96xf32, #tpu.memory_space<vmem>>, vector<1x16xf32>,
      %get3A_178 = arith.index_cast %scan3A_128 : i32 to index
      %get3A_179 = arith.constant 32 : index
      %get3A_180 = tpu.vector_load %arg9[%get3A_178, %get3A_179] {strides = array<i32>} : memref<128x128xf32, #tpu.memory_space<vmem>>, vector<1x16xf32>,
      %get3A_181 = vector.shape_cast %get3A_180 : vector<1x16xf32> to vector<16xf32>
      %get3A_182 = arith.index_cast %scan3A_128 : i32 to index
      %get3A_183 = arith.constant 32 : index
      %get3A_184 = tpu.vector_load %arg10[%get3A_182, %get3A_183] {strides = array<i32>} : memref<128x128xf32, #tpu.memory_space<vmem>>, vector<1x16xf32>,
      %get3A_185 = vector.shape_cast %get3A_184 : vector<1x16xf32> to vector<16xf32>
      %add3A_186 = arith.addf %get3A_181, %get3A_185 : vector<16xf32>
      %get3A_187 = arith.index_cast %scan3A_128 : i32 to index
      %get3A_188 = arith.constant 32 : index
      %get3A_189 = tpu.vector_load %arg11[%get3A_187, %get3A_188] {strides = array<i32>} : memref<128x128xf32, #tpu.memory_space<vmem>>, vector<1x16xf32>,
      %get3A_190 = vector.shape_cast %get3A_189 : vector<1x16xf32> to vector<16xf32>
      %add3A_191 = arith.addf %add3A_186, %get3A_190 : vector<16xf32>
      %get3A_192 = arith.constant 32 : index
      %get3A_193 = tpu.vector_load %arg13[%get3A_192] {strides = array<i32>} : memref<96xf32, #tpu.memory_space<vmem>>, vector<16xf32>,
      %get3A_194 = vector.shape_cast %get3A_193 : vector<16xf32> to vector<16xf32>
      %add3A_195 = arith.addf %add3A_191, %get3A_194 : vector<16xf32>
      %max3A_196 = arith.constant 0.000000e+00 : f32
      %max3A_197 = vector.broadcast %max3A_196 : f32 to vector<16xf32>
      %max3A_198 = arith.maximumf %add3A_195, %max3A_197 : vector<16xf32>
      %swap3A_199 = arith.index_cast %scan3A_128 : i32 to index
      %swap3A_200 = arith.constant 32 : index
      %swap3A_201 = tpu.vector_load %arg12[%swap3A_199, %swap3A_200] {strides = array<i32>} : memref<128x96xf32, #tpu.memory_space<vmem>>, vector<1x16xf32>,
      %swap3A_202 = vector.shape_cast %swap3A_201 : vector<1x16xf32> to vector<16xf32>
      %swap3A_203 = vector.shape_cast %max3A_198 : vector<16xf32> to vector<1x16xf32>
      tpu.vector_store %arg12[%swap3A_199, %swap3A_200], %swap3A_203 {strides = array<i32>} : memref<128x96xf32, #tpu.memory_space<vmem>>, vector<1x16xf32>,
      %get3A_204 = arith.index_cast %scan3A_128 : i32 to index
      %get3A_205 = arith.constant 48 : index
      %get3A_206 = tpu.vector_load %arg9[%get3A_204, %get3A_205] {strides = array<i32>} : memref<128x128xf32, #tpu.memory_space<vmem>>, vector<1x16xf32>,
      %get3A_207 = vector.shape_cast %get3A_206 : vector<1x16xf32> to vector<16xf32>
      %get3A_208 = arith.index_cast %scan3A_128 : i32 to index
      %get3A_209 = arith.constant 48 : index
      %get3A_210 = tpu.vector_load %arg10[%get3A_208, %get3A_209] {strides = array<i32>} : memref<128x128xf32, #tpu.memory_space<vmem>>, vector<1x16xf32>,
      %get3A_211 = vector.shape_cast %get3A_210 : vector<1x16xf32> to vector<16xf32>
      %add3A_212 = arith.addf %get3A_207, %get3A_211 : vector<16xf32>
      %get3A_213 = arith.index_cast %scan3A_128 : i32 to index
      %get3A_214 = arith.constant 48 : index
      %get3A_215 = tpu.vector_load %arg11[%get3A_213, %get3A_214] {strides = array<i32>} : memref<128x128xf32, #tpu.memory_space<vmem>>, vector<1x16xf32>,
      %get3A_216 = vector.shape_cast %get3A_215 : vector<1x16xf32> to vector<16xf32>
      %add3A_217 = arith.addf %add3A_212, %get3A_216 : vector<16xf32>
      %get3A_218 = arith.constant 48 : index
      %get3A_219 = tpu.vector_load %arg13[%get3A_218] {strides = array<i32>} : memref<96xf32, #tpu.memory_space<vmem>>, vector<16xf32>,
      %get3A_220 = vector.shape_cast %get3A_219 : vector<16xf32> to vector<16xf32>
      %add3A_221 = arith.addf %add3A_217, %get3A_220 : vector<16xf32>
      %max3A_222 = arith.constant 0.000000e+00 : f32
      %max3A_223 = vector.broadcast %max3A_222 : f32 to vector<16xf32>
      %max3A_224 = arith.maximumf %add3A_221, %max3A_223 : vector<16xf32>
      %swap3A_225 = arith.index_cast %scan3A_128 : i32 to index
      %swap3A_226 = arith.constant 48 : index
      %swap3A_227 = tpu.vector_load %arg12[%swap3A_225, %swap3A_226] {strides = array<i32>} : memref<128x96xf32, #tpu.memory_space<vmem>>, vector<1x16xf32>,
      %swap3A_228 = vector.shape_cast %swap3A_227 : vector<1x16xf32> to vector<16xf32>
      %swap3A_229 = vector.shape_cast %max3A_224 : vector<16xf32> to vector<1x16xf32>
      tpu.vector_store %arg12[%swap3A_225, %swap3A_226], %swap3A_229 {strides = array<i32>} : memref<128x96xf32, #tpu.memory_space<vmem>>, vector<1x16xf32>,
      %get3A_230 = arith.index_cast %scan3A_128 : i32 to index
      %get3A_231 = arith.constant 64 : index
      %get3A_232 = tpu.vector_load %arg9[%get3A_230, %get3A_231] {strides = array<i32>} : memref<128x128xf32, #tpu.memory_space<vmem>>, vector<1x16xf32>,
      %get3A_233 = vector.shape_cast %get3A_232 : vector<1x16xf32> to vector<16xf32>
      %get3A_234 = arith.index_cast %scan3A_128 : i32 to index
      %get3A_235 = arith.constant 64 : index
      %get3A_236 = tpu.vector_load %arg10[%get3A_234, %get3A_235] {strides = array<i32>} : memref<128x128xf32, #tpu.memory_space<vmem>>, vector<1x16xf32>,
      %get3A_237 = vector.shape_cast %get3A_236 : vector<1x16xf32> to vector<16xf32>
      %add3A_238 = arith.addf %get3A_233, %get3A_237 : vector<16xf32>
      %get3A_239 = arith.index_cast %scan3A_128 : i32 to index
      %get3A_240 = arith.constant 64 : index
      %get3A_241 = tpu.vector_load %arg11[%get3A_239, %get3A_240] {strides = array<i32>} : memref<128x128xf32, #tpu.memory_space<vmem>>, vector<1x16xf32>,
      %get3A_242 = vector.shape_cast %get3A_241 : vector<1x16xf32> to vector<16xf32>
      %add3A_243 = arith.addf %add3A_238, %get3A_242 : vector<16xf32>
      %get3A_244 = arith.constant 64 : index
      %get3A_245 = tpu.vector_load %arg13[%get3A_244] {strides = array<i32>} : memref<96xf32, #tpu.memory_space<vmem>>, vector<16xf32>,
      %get3A_246 = vector.shape_cast %get3A_245 : vector<16xf32> to vector<16xf32>
      %add3A_247 = arith.addf %add3A_243, %get3A_246 : vector<16xf32>
      %max3A_248 = arith.constant 0.000000e+00 : f32
      %max3A_249 = vector.broadcast %max3A_248 : f32 to vector<16xf32>
      %max3A_250 = arith.maximumf %add3A_247, %max3A_249 : vector<16xf32>
      %swap3A_251 = arith.index_cast %scan3A_128 : i32 to index
      %swap3A_252 = arith.constant 64 : index
      %swap3A_253 = tpu.vector_load %arg12[%swap3A_251, %swap3A_252] {strides = array<i32>} : memref<128x96xf32, #tpu.memory_space<vmem>>, vector<1x16xf32>,
      %swap3A_254 = vector.shape_cast %swap3A_253 : vector<1x16xf32> to vector<16xf32>
      %swap3A_255 = vector.shape_cast %max3A_250 : vector<16xf32> to vector<1x16xf32>
      tpu.vector_store %arg12[%swap3A_251, %swap3A_252], %swap3A_255 {strides = array<i32>} : memref<128x96xf32, #tpu.memory_space<vmem>>, vector<1x16xf32>,
      %get3A_256 = arith.index_cast %scan3A_128 : i32 to index
      %get3A_257 = arith.constant 80 : index
      %get3A_258 = tpu.vector_load %arg9[%get3A_256, %get3A_257] {strides = array<i32>} : memref<128x128xf32, #tpu.memory_space<vmem>>, vector<1x16xf32>,
      %get3A_259 = vector.shape_cast %get3A_258 : vector<1x16xf32> to vector<16xf32>
      %get3A_260 = arith.index_cast %scan3A_128 : i32 to index
      %get3A_261 = arith.constant 80 : index
      %get3A_262 = tpu.vector_load %arg10[%get3A_260, %get3A_261] {strides = array<i32>} : memref<128x128xf32, #tpu.memory_space<vmem>>, vector<1x16xf32>,
      %get3A_263 = vector.shape_cast %get3A_262 : vector<1x16xf32> to vector<16xf32>
      %add3A_264 = arith.addf %get3A_259, %get3A_263 : vector<16xf32>
      %get3A_265 = arith.index_cast %scan3A_128 : i32 to index
      %get3A_266 = arith.constant 80 : index
      %get3A_267 = tpu.vector_load %arg11[%get3A_265, %get3A_266] {strides = array<i32>} : memref<128x128xf32, #tpu.memory_space<vmem>>, vector<1x16xf32>,
      %get3A_268 = vector.shape_cast %get3A_267 : vector<1x16xf32> to vector<16xf32>
      %add3A_269 = arith.addf %add3A_264, %get3A_268 : vector<16xf32>
      %get3A_270 = arith.constant 80 : index
      %get3A_271 = tpu.vector_load %arg13[%get3A_270] {strides = array<i32>} : memref<96xf32, #tpu.memory_space<vmem>>, vector<16xf32>,
      %get3A_272 = vector.shape_cast %get3A_271 : vector<16xf32> to vector<16xf32>
      %add3A_273 = arith.addf %add3A_269, %get3A_272 : vector<16xf32>
      %max3A_274 = arith.constant 0.000000e+00 : f32
      %max3A_275 = vector.broadcast %max3A_274 : f32 to vector<16xf32>
      %max3A_276 = arith.maximumf %add3A_273, %max3A_275 : vector<16xf32>
      %swap3A_277 = arith.index_cast %scan3A_128 : i32 to index
      %swap3A_278 = arith.constant 80 : index
      %swap3A_279 = tpu.vector_load %arg12[%swap3A_277, %swap3A_278] {strides = array<i32>} : memref<128x96xf32, #tpu.memory_space<vmem>>, vector<1x16xf32>,
      %swap3A_280 = vector.shape_cast %swap3A_279 : vector<1x16xf32> to vector<16xf32>
      %swap3A_281 = vector.shape_cast %max3A_276 : vector<16xf32> to vector<1x16xf32>
      tpu.vector_store %arg12[%swap3A_277, %swap3A_278], %swap3A_281 {strides = array<i32>} : memref<128x96xf32, #tpu.memory_space<vmem>>, vector<1x16xf32>,
    }
    %scan3A_127 = arith.constant 128 : i32
    "tpu.region"() ({
      %run_scoped3A = tpu.sem_alloc : memref<!tpu.dma_semaphore, #tpu.memory_space<semaphore_mem>>
      %dma_start3A_128 = arith.constant 0 : i32
      %dma_start3A_129 = tpu.memref_slice %arg5[%add3A_97, %dma_start3A_128] : memref<16384x96xf32, #tpu.memory_space<hbm>> -> memref<128x96xf32, #tpu.memory_space<hbm>>
      %dma_start3A_130 = arith.constant 0 : i32
      %dma_start3A_131 = tpu.memref_slice %arg5[%add3A_97, %dma_start3A_130] : memref<16384x96xf32, #tpu.memory_space<hbm>> -> memref<128x96xf32, #tpu.memory_space<hbm>>
      tpu.enqueue_dma source(%arg12 : memref<128x96xf32, #tpu.memory_space<vmem>>) target(%dma_start3A_131 : memref<128x96xf32, #tpu.memory_space<hbm>>) target_semaphore(%run_scoped3A : memref<!tpu.dma_semaphore, #tpu.memory_space<semaphore_mem>>)
      %dma_wait3A_132 = arith.constant 0 : i32
      %dma_wait3A_133 = tpu.memref_slice %arg5[%add3A_97, %dma_wait3A_132] : memref<16384x96xf32, #tpu.memory_space<hbm>> -> memref<128x96xf32, #tpu.memory_space<hbm>>
      %dma_wait3A_134 = arith.constant 0 : i32
      %dma_wait3A_135 = tpu.memref_slice %arg5[%add3A_97, %dma_wait3A_134] : memref<16384x96xf32, #tpu.memory_space<hbm>> -> memref<128x96xf32, #tpu.memory_space<hbm>>
      tpu.wait_dma2 semaphore(%run_scoped3A : memref<!tpu.dma_semaphore, #tpu.memory_space<semaphore_mem>>) src(%arg12 : memref<128x96xf32, #tpu.memory_space<vmem>>) dst(%dma_wait3A_135 : memref<128x96xf32, #tpu.memory_space<hbm>>)
      tpu.yield
    }) : () -> ()
    return
  }
}

module attributes {stable_mosaic.version = 14 : i64} {
  func.func @_topk_kernel(%arg0: i32, %arg1: i32, %arg2: memref<1x96x4096xf32, #tpu.memory_space<vmem>>, %arg3: memref<1x96x256xf32, #tpu.memory_space<vmem>>, %arg4: memref<3x128x96xf32, #tpu.memory_space<vmem>>, %arg5: memref<1x3x256xi32, #tpu.memory_space<vmem>>, %arg6: memref<1x3x256x128xf32, #tpu.memory_space<vmem>>) attributes {dimension_semantics = [#tpu.dimension_semantics<arbitrary>, #tpu.dimension_semantics<arbitrary>], iteration_bounds = array<i64: 4, 16>, scalar_prefetch = 0 : i64, scratch_operands = 0 : i64, tpu.core_type = #tpu.core_type<tc>, window_params = [{transform_indices = @transform_0, window_bounds = array<i64: 1, 96, 4096>}, {transform_indices = @transform_1, window_bounds = array<i64: 1, 96, 256>}, {pipeline_mode = #tpu.pipeline_mode<synchronous>, transform_indices = @transform_2, window_bounds = array<i64: 3, 128, 96>}, {transform_indices = @transform_3, window_bounds = array<i64: 1, 3, 256>}, {transform_indices = @transform_4, window_bounds = array<i64: 1, 3, 256, 128>}]} {
    %get3A = arith.constant 0 : index
    %get3A_0 = arith.constant 0 : index
    %get3A_1 = arith.constant 0 : index
    %get3A_2 = vector.load %arg2[%get3A, %get3A_0, %get3A_1] : memref<1x96x4096xf32, #tpu.memory_space<vmem>>, vector<1x96x4096xf32>
    %get3A_3 = vector.shape_cast %get3A_2 : vector<1x96x4096xf32> to vector<96x4096xf32>
    %mul3A = arith.mulf %get3A_3, %get3A_3 : vector<96x4096xf32>
    %reduce_sum3A = arith.constant dense<0.000000e+00> : vector<4096xf32>
    %reduce_sum3A_4 = vector.multi_reduction <add>, %mul3A, %reduce_sum3A [0] : vector<96x4096xf32> to vector<4096xf32>
    %broadcast_in_dim3A = vector.shape_cast %reduce_sum3A_4 : vector<4096xf32> to vector<1x4096xf32>
    %get3A_5 = arith.constant 0 : index
    %get3A_6 = arith.constant 0 : index
    %get3A_7 = arith.constant 0 : index
    %get3A_8 = vector.load %arg3[%get3A_5, %get3A_6, %get3A_7] : memref<1x96x256xf32, #tpu.memory_space<vmem>>, vector<1x96x256xf32>
    %get3A_9 = vector.shape_cast %get3A_8 : vector<1x96x256xf32> to vector<96x256xf32>
    %mul3A_10 = arith.mulf %get3A_9, %get3A_9 : vector<96x256xf32>
    %reduce_sum3A_11 = arith.constant dense<0.000000e+00> : vector<256xf32>
    %reduce_sum3A_12 = vector.multi_reduction <add>, %mul3A_10, %reduce_sum3A_11 [0] : vector<96x256xf32> to vector<256xf32>
    %broadcast_in_dim3A_13 = vector.shape_cast %reduce_sum3A_12 : vector<256xf32> to vector<1x256xf32>
    %dot_general3A = arith.constant dense<0.000000e+00> : vector<256x4096xf32>
    %dot_general3A_14 = tpu.matmul %get3A_9, %get3A_3, %dot_general3A {dimension_numbers = #tpu.dot_dimension_numbers<[0], [0], [1], [1], [0, 1, 1, 1], [], []>, transpose_lhs_hint = false} : vector<96x256xf32>, vector<96x4096xf32>, vector<256x4096xf32> -> vector<256x4096xf32>
    %transpose3A = tpu.transpose %broadcast_in_dim3A_13, [1, 0] : vector<1x256xf32> -> vector<256x1xf32>
    %add3A = vector.broadcast %transpose3A : vector<256x1xf32> to vector<256x4096xf32>
    %add3A_15 = vector.broadcast %broadcast_in_dim3A : vector<1x4096xf32> to vector<256x4096xf32>
    %add3A_16 = arith.addf %add3A, %add3A_15 : vector<256x4096xf32>
    %mul3A_17 = arith.constant 2.000000e+00 : f32
    %mul3A_18 = vector.broadcast %mul3A_17 : f32 to vector<256x4096xf32>
    %mul3A_19 = arith.mulf %mul3A_18, %dot_general3A_14 : vector<256x4096xf32>
    %sub3A = arith.subf %add3A_16, %mul3A_19 : vector<256x4096xf32>
    %max3A = arith.constant 0.000000e+00 : f32
    %max3A_20 = vector.broadcast %max3A : f32 to vector<256x4096xf32>
    %max3A_21 = arith.maximumf %sub3A, %max3A_20 : vector<256x4096xf32>
    %iota3A = tpu.iota {dimensions = array<i32: 1>} : vector<256x4096xi32>
    %reduce_min3A = arith.constant dense<0x7F800000> : vector<256xf32>
    %reduce_min3A_22 = vector.multi_reduction <minimumf>, %max3A_21, %reduce_min3A [1] : vector<256x4096xf32> to vector<256xf32>
    %broadcast_in_dim3A_23 = vector.shape_cast %reduce_min3A_22 : vector<256xf32> to vector<256x1xf32>
    %eq3A = vector.broadcast %broadcast_in_dim3A_23 : vector<256x1xf32> to vector<256x4096xf32>
    %eq3A_24 = arith.cmpf oeq, %max3A_21, %eq3A : vector<256x4096xf32>
    %jit3A = arith.constant 4096 : i32
    %broadcast_in_dim3A_25 = vector.broadcast %jit3A : i32 to vector<256x4096xi32>
    %select_n3A = arith.select %eq3A_24, %iota3A, %broadcast_in_dim3A_25 : vector<256x4096xi1>, vector<256x4096xi32>
    %reduce_min3A_26 = arith.constant dense<2147483647> : vector<256xi32>
    %reduce_min3A_27 = vector.multi_reduction <minsi>, %select_n3A, %reduce_min3A_26 [1] : vector<256x4096xi32> to vector<256xi32>
    %broadcast_in_dim3A_28 = vector.shape_cast %reduce_min3A_27 : vector<256xi32> to vector<256x1xi32>
    %eq3A_29 = vector.broadcast %broadcast_in_dim3A_28 : vector<256x1xi32> to vector<256x4096xi32>
    %eq3A_30 = arith.cmpi eq, %iota3A, %eq3A_29 : vector<256x4096xi32>
    %jit3A_31 = arith.constant 0x7F800000 : f32
    %broadcast_in_dim3A_32 = vector.broadcast %jit3A_31 : f32 to vector<256x4096xf32>
    %select_n3A_33 = arith.select %eq3A_30, %broadcast_in_dim3A_32, %max3A_21 : vector<256x4096xi1>, vector<256x4096xf32>
    %mul3A_34 = arith.constant 3 : i32
    %mul3A_35 = arith.muli %arg0, %mul3A_34 : i32
    %add3A_36 = arith.constant 0 : i32
    %add3A_37 = arith.addi %mul3A_35, %add3A_36 : i32
    %mul3A_38 = arith.constant 4096 : i32
    %mul3A_39 = arith.muli %add3A_37, %mul3A_38 : i32
    %add3A_40 = vector.broadcast %mul3A_39 : i32 to vector<256x1xi32>
    %add3A_41 = arith.addi %broadcast_in_dim3A_28, %add3A_40 : vector<256x1xi32>
    %reshape3A = vector.shape_cast %add3A_41 : vector<256x1xi32> to vector<256xi32>
    %swap3A = arith.constant 0 : index
    %swap3A_42 = arith.constant 0 : index
    %swap3A_43 = arith.constant 0 : index
    %swap3A_44 = vector.load %arg5[%swap3A, %swap3A_42, %swap3A_43] : memref<1x3x256xi32, #tpu.memory_space<vmem>>, vector<1x1x256xi32>
    %swap3A_45 = vector.shape_cast %swap3A_44 : vector<1x1x256xi32> to vector<256xi32>
    %swap3A_46 = vector.shape_cast %reshape3A : vector<256xi32> to vector<1x1x256xi32>
    tpu.vector_store %arg5[%swap3A, %swap3A_42, %swap3A_43], %swap3A_46 {strides = array<i32>} : memref<1x3x256xi32, #tpu.memory_space<vmem>>, vector<1x1x256xi32>,
    %get3A_47 = arith.constant 0 : index
    %get3A_48 = arith.constant 0 : index
    %get3A_49 = arith.constant 0 : index
    %get3A_50 = vector.load %arg4[%get3A_47, %get3A_48, %get3A_49] : memref<3x128x96xf32, #tpu.memory_space<vmem>>, vector<1x128x96xf32>
    %get3A_51 = vector.shape_cast %get3A_50 : vector<1x128x96xf32> to vector<128x96xf32>
    %dot_general3A_52 = arith.constant dense<0.000000e+00> : vector<256x128xf32>
    %dot_general3A_53 = tpu.matmul %get3A_9, %get3A_51, %dot_general3A_52 {dimension_numbers = #tpu.dot_dimension_numbers<[0], [1], [1], [0], [0, 1, 1, 0], [], []>, transpose_lhs_hint = false} : vector<96x256xf32>, vector<128x96xf32>, vector<256x128xf32> -> vector<256x128xf32>
    %swap3A_54 = arith.constant 0 : index
    %swap3A_55 = arith.constant 0 : index
    %swap3A_56 = arith.constant 0 : index
    %swap3A_57 = arith.constant 0 : index
    %swap3A_58 = vector.load %arg6[%swap3A_54, %swap3A_55, %swap3A_56, %swap3A_57] : memref<1x3x256x128xf32, #tpu.memory_space<vmem>>, vector<1x1x256x128xf32>
    %swap3A_59 = vector.shape_cast %swap3A_58 : vector<1x1x256x128xf32> to vector<256x128xf32>
    %swap3A_60 = vector.shape_cast %dot_general3A_53 : vector<256x128xf32> to vector<1x1x256x128xf32>
    tpu.vector_store %arg6[%swap3A_54, %swap3A_55, %swap3A_56, %swap3A_57], %swap3A_60 {strides = array<i32>} : memref<1x3x256x128xf32, #tpu.memory_space<vmem>>, vector<1x1x256x128xf32>,
    %reduce_min3A_61 = arith.constant dense<0x7F800000> : vector<256xf32>
    %reduce_min3A_62 = vector.multi_reduction <minimumf>, %select_n3A_33, %reduce_min3A_61 [1] : vector<256x4096xf32> to vector<256xf32>
    %broadcast_in_dim3A_63 = vector.shape_cast %reduce_min3A_62 : vector<256xf32> to vector<256x1xf32>
    %eq3A_64 = vector.broadcast %broadcast_in_dim3A_63 : vector<256x1xf32> to vector<256x4096xf32>
    %eq3A_65 = arith.cmpf oeq, %select_n3A_33, %eq3A_64 : vector<256x4096xf32>
    %jit3A_66 = arith.constant 4096 : i32
    %broadcast_in_dim3A_67 = vector.broadcast %jit3A_66 : i32 to vector<256x4096xi32>
    %select_n3A_68 = arith.select %eq3A_65, %iota3A, %broadcast_in_dim3A_67 : vector<256x4096xi1>, vector<256x4096xi32>
    %reduce_min3A_69 = arith.constant dense<2147483647> : vector<256xi32>
    %reduce_min3A_70 = vector.multi_reduction <minsi>, %select_n3A_68, %reduce_min3A_69 [1] : vector<256x4096xi32> to vector<256xi32>
    %broadcast_in_dim3A_71 = vector.shape_cast %reduce_min3A_70 : vector<256xi32> to vector<256x1xi32>
    %eq3A_72 = vector.broadcast %broadcast_in_dim3A_71 : vector<256x1xi32> to vector<256x4096xi32>
    %eq3A_73 = arith.cmpi eq, %iota3A, %eq3A_72 : vector<256x4096xi32>
    %jit3A_74 = arith.constant 0x7F800000 : f32
    %broadcast_in_dim3A_75 = vector.broadcast %jit3A_74 : f32 to vector<256x4096xf32>
    %select_n3A_76 = arith.select %eq3A_73, %broadcast_in_dim3A_75, %select_n3A_33 : vector<256x4096xi1>, vector<256x4096xf32>
    %mul3A_77 = arith.constant 3 : i32
    %mul3A_78 = arith.muli %arg0, %mul3A_77 : i32
    %add3A_79 = arith.constant 1 : i32
    %add3A_80 = arith.addi %mul3A_78, %add3A_79 : i32
    %mul3A_81 = arith.constant 4096 : i32
    %mul3A_82 = arith.muli %add3A_80, %mul3A_81 : i32
    %add3A_83 = vector.broadcast %mul3A_82 : i32 to vector<256x1xi32>
    %add3A_84 = arith.addi %broadcast_in_dim3A_71, %add3A_83 : vector<256x1xi32>
    %reshape3A_85 = vector.shape_cast %add3A_84 : vector<256x1xi32> to vector<256xi32>
    %swap3A_86 = arith.constant 0 : index
    %swap3A_87 = arith.constant 1 : index
    %swap3A_88 = arith.constant 0 : index
    %swap3A_89 = vector.load %arg5[%swap3A_86, %swap3A_87, %swap3A_88] : memref<1x3x256xi32, #tpu.memory_space<vmem>>, vector<1x1x256xi32>
    %swap3A_90 = vector.shape_cast %swap3A_89 : vector<1x1x256xi32> to vector<256xi32>
    %swap3A_91 = vector.shape_cast %reshape3A_85 : vector<256xi32> to vector<1x1x256xi32>
    tpu.vector_store %arg5[%swap3A_86, %swap3A_87, %swap3A_88], %swap3A_91 {strides = array<i32>} : memref<1x3x256xi32, #tpu.memory_space<vmem>>, vector<1x1x256xi32>,
    %get3A_92 = arith.constant 1 : index
    %get3A_93 = arith.constant 0 : index
    %get3A_94 = arith.constant 0 : index
    %get3A_95 = vector.load %arg4[%get3A_92, %get3A_93, %get3A_94] : memref<3x128x96xf32, #tpu.memory_space<vmem>>, vector<1x128x96xf32>
    %get3A_96 = vector.shape_cast %get3A_95 : vector<1x128x96xf32> to vector<128x96xf32>
    %dot_general3A_97 = arith.constant dense<0.000000e+00> : vector<256x128xf32>
    %dot_general3A_98 = tpu.matmul %get3A_9, %get3A_96, %dot_general3A_97 {dimension_numbers = #tpu.dot_dimension_numbers<[0], [1], [1], [0], [0, 1, 1, 0], [], []>, transpose_lhs_hint = false} : vector<96x256xf32>, vector<128x96xf32>, vector<256x128xf32> -> vector<256x128xf32>
    %swap3A_99 = arith.constant 0 : index
    %swap3A_100 = arith.constant 1 : index
    %swap3A_101 = arith.constant 0 : index
    %swap3A_102 = arith.constant 0 : index
    %swap3A_103 = vector.load %arg6[%swap3A_99, %swap3A_100, %swap3A_101, %swap3A_102] : memref<1x3x256x128xf32, #tpu.memory_space<vmem>>, vector<1x1x256x128xf32>
    %swap3A_104 = vector.shape_cast %swap3A_103 : vector<1x1x256x128xf32> to vector<256x128xf32>
    %swap3A_105 = vector.shape_cast %dot_general3A_98 : vector<256x128xf32> to vector<1x1x256x128xf32>
    tpu.vector_store %arg6[%swap3A_99, %swap3A_100, %swap3A_101, %swap3A_102], %swap3A_105 {strides = array<i32>} : memref<1x3x256x128xf32, #tpu.memory_space<vmem>>, vector<1x1x256x128xf32>,
    %reduce_min3A_106 = arith.constant dense<0x7F800000> : vector<256xf32>
    %reduce_min3A_107 = vector.multi_reduction <minimumf>, %select_n3A_76, %reduce_min3A_106 [1] : vector<256x4096xf32> to vector<256xf32>
    %broadcast_in_dim3A_108 = vector.shape_cast %reduce_min3A_107 : vector<256xf32> to vector<256x1xf32>
    %eq3A_109 = vector.broadcast %broadcast_in_dim3A_108 : vector<256x1xf32> to vector<256x4096xf32>
    %eq3A_110 = arith.cmpf oeq, %select_n3A_76, %eq3A_109 : vector<256x4096xf32>
    %jit3A_111 = arith.constant 4096 : i32
    %broadcast_in_dim3A_112 = vector.broadcast %jit3A_111 : i32 to vector<256x4096xi32>
    %select_n3A_113 = arith.select %eq3A_110, %iota3A, %broadcast_in_dim3A_112 : vector<256x4096xi1>, vector<256x4096xi32>
    %reduce_min3A_114 = arith.constant dense<2147483647> : vector<256xi32>
    %reduce_min3A_115 = vector.multi_reduction <minsi>, %select_n3A_113, %reduce_min3A_114 [1] : vector<256x4096xi32> to vector<256xi32>
    %broadcast_in_dim3A_116 = vector.shape_cast %reduce_min3A_115 : vector<256xi32> to vector<256x1xi32>
    %mul3A_117 = arith.constant 3 : i32
    %mul3A_118 = arith.muli %arg0, %mul3A_117 : i32
    %add3A_119 = arith.constant 2 : i32
    %add3A_120 = arith.addi %mul3A_118, %add3A_119 : i32
    %mul3A_121 = arith.constant 4096 : i32
    %mul3A_122 = arith.muli %add3A_120, %mul3A_121 : i32
    %add3A_123 = vector.broadcast %mul3A_122 : i32 to vector<256x1xi32>
    %add3A_124 = arith.addi %broadcast_in_dim3A_116, %add3A_123 : vector<256x1xi32>
    %reshape3A_125 = vector.shape_cast %add3A_124 : vector<256x1xi32> to vector<256xi32>
    %swap3A_126 = arith.constant 0 : index
    %swap3A_127 = arith.constant 2 : index
    %swap3A_128 = arith.constant 0 : index
    %swap3A_129 = vector.load %arg5[%swap3A_126, %swap3A_127, %swap3A_128] : memref<1x3x256xi32, #tpu.memory_space<vmem>>, vector<1x1x256xi32>
    %swap3A_130 = vector.shape_cast %swap3A_129 : vector<1x1x256xi32> to vector<256xi32>
    %swap3A_131 = vector.shape_cast %reshape3A_125 : vector<256xi32> to vector<1x1x256xi32>
    tpu.vector_store %arg5[%swap3A_126, %swap3A_127, %swap3A_128], %swap3A_131 {strides = array<i32>} : memref<1x3x256xi32, #tpu.memory_space<vmem>>, vector<1x1x256xi32>,
    %get3A_132 = arith.constant 2 : index
    %get3A_133 = arith.constant 0 : index
    %get3A_134 = arith.constant 0 : index
    %get3A_135 = vector.load %arg4[%get3A_132, %get3A_133, %get3A_134] : memref<3x128x96xf32, #tpu.memory_space<vmem>>, vector<1x128x96xf32>
    %get3A_136 = vector.shape_cast %get3A_135 : vector<1x128x96xf32> to vector<128x96xf32>
    %dot_general3A_137 = arith.constant dense<0.000000e+00> : vector<256x128xf32>
    %dot_general3A_138 = tpu.matmul %get3A_9, %get3A_136, %dot_general3A_137 {dimension_numbers = #tpu.dot_dimension_numbers<[0], [1], [1], [0], [0, 1, 1, 0], [], []>, transpose_lhs_hint = false} : vector<96x256xf32>, vector<128x96xf32>, vector<256x128xf32> -> vector<256x128xf32>
    %swap3A_139 = arith.constant 0 : index
    %swap3A_140 = arith.constant 2 : index
    %swap3A_141 = arith.constant 0 : index
    %swap3A_142 = arith.constant 0 : index
    %swap3A_143 = vector.load %arg6[%swap3A_139, %swap3A_140, %swap3A_141, %swap3A_142] : memref<1x3x256x128xf32, #tpu.memory_space<vmem>>, vector<1x1x256x128xf32>
    %swap3A_144 = vector.shape_cast %swap3A_143 : vector<1x1x256x128xf32> to vector<256x128xf32>
    %swap3A_145 = vector.shape_cast %dot_general3A_138 : vector<256x128xf32> to vector<1x1x256x128xf32>
    tpu.vector_store %arg6[%swap3A_139, %swap3A_140, %swap3A_141, %swap3A_142], %swap3A_145 {strides = array<i32>} : memref<1x3x256x128xf32, #tpu.memory_space<vmem>>, vector<1x1x256x128xf32>,
    return
  }
  func.func @transform_0(%arg0: i32, %arg1: i32) -> (i32, i32, i32) {
    %c0_i32 = arith.constant 0 : i32
    %c0_i32_0 = arith.constant 0 : i32
    %c0_i32_1 = arith.constant 0 : i32
    return %arg0, %c0_i32, %c0_i32_0 : i32, i32, i32
  }
  func.func @transform_1(%arg0: i32, %arg1: i32) -> (i32, i32, i32) {
    %c0_i32 = arith.constant 0 : i32
    %c0_i32_0 = arith.constant 0 : i32
    return %arg0, %c0_i32, %arg1 : i32, i32, i32
  }
  func.func @transform_2(%arg0: i32, %arg1: i32) -> (i32, i32, i32) {
    %c0_i32 = arith.constant 0 : i32
    %c0_i32_0 = arith.constant 0 : i32
    %c0_i32_1 = arith.constant 0 : i32
    %c0_i32_2 = arith.constant 0 : i32
    return %c0_i32, %c0_i32_0, %c0_i32_1 : i32, i32, i32
  }
  func.func @transform_3(%arg0: i32, %arg1: i32) -> (i32, i32, i32) {
    %c0_i32 = arith.constant 0 : i32
    %c0_i32_0 = arith.constant 0 : i32
    return %arg0, %c0_i32, %arg1 : i32, i32, i32
  }
  func.func @transform_4(%arg0: i32, %arg1: i32) -> (i32, i32, i32, i32) {
    %c0_i32 = arith.constant 0 : i32
    %c0_i32_0 = arith.constant 0 : i32
    %c0_i32_1 = arith.constant 0 : i32
    return %arg0, %c0_i32, %arg1, %c0_i32_0 : i32, i32, i32, i32
  }
}

</mosaic_0001>

<sc_bundles>
// kernel: kernel.4.cloned.1.call-start
scs
__scs_entry_jumppad:
0x0: {  	(pc) =	sbr.rel $0x88, $3  }
0x1: {  	(tag) =	ssettag $0x0;
	lr =	simm.s32 $0x1  }
0x2: {  	[smem:$0x3F9E] =	sst lr;
	_ =	strace $0xD0000000  }
0x3: {  	_ = 	snop  }
0x4: {  	_ = 	snop  }
0x5: {  	_ = 	snop  }
0x6: {  	_ = 	snop  }
0x7: {  	_ = 	snop  }
__scs_overlays_trampoline_lowered:
0x8: {  	[smem:$0x3FAD] =	sst s0  }
0x9: {  	[smem:$0x3FAE] =	sst s1  }
0xa: {  	[smem:$0x3FAF] =	sst s2  }
0xb: {  	[smem:$0x3FB0] =	sst s3  }
0xc: {  	[smem:$0x3FB1] =	sst s4  }
0xd: {  	[smem:$0x3FB2] =	sst s5  }
0xe: {  	[smem:$0x3FB3] =	sst s6  }
0xf: {  	[smem:$0x3FB4] =	sst s7  }
0x10: {  	[smem:$0x3FB5] =	sst s8  }
0x11: {  	[smem:$0x3FB6] =	sst s9;
	s0 =	simm.s32 @!p0 $0x0  }
0x12: {  	s1 =	sld [smem:$0x3F9C];
	s0 =	simm.s32 @p0 $0x1  }
0x13: {  	[smem:$0x3FB7] =	sst s0;
	s0 =	simm.s32 @!p1 $0x0  }
0x14: {  	s2 =	sld [smem:$0x3F9B];
	s0 =	simm.s32 @p1 $0x1  }
0x15: {  	[smem:$0x3FB8] =	sst s0;
	s0 =	simm.s32 @!p2 $0x0  }
0x16: {  	s3 =	sld [smem:$0x3FDB];
	s0 =	simm.s32 @p2 $0x1  }
0x17: {  	s4 =	simm.s32 $0x1BF5;
	[smem:$0x3FBA] =	sst s0  }
0x18: {  	s0 =	sld [smem:$0x3F9D];
	_ =	swait.ge [sflag:s4], $0x0  }
0x19: {  	s7 =	sld [smem:$0x3F9E]  }
0x1a: {  	s8 =	sadd.s32 $0xFFFFE003, lr  }
0x1b: {  	s9 =	sadd.s32 $0xFFFFFEF7, lr;
	s5 =	simm.s32 $0xFFFFFFFF;
	p2 =	slt.u32 s8, $0xFFFFF086  }
0x1c: {  	p1 =	slt.u32 s9, $0xF7A;
	s5 =	simm.s32 @!p2 $0x0  }
0x1d: {  	s5 =	simm.s32 @p1 $0x1;
	p0 =	seq.s32 s7, s2  }
0x1e: {  	s7 =	smul.u32 @!p0 $0xF7A, s2;
	p2 =	seq.s32 @!p0 s5, $0x0  }
0x1f: {  	s9 =	smul.u32 $0xF7A, s1;
	s8 =	simm.s32 @!p0 $0x1BF5;
	p2 =	por !p2, p0  }
0x20: {  	[sflag:s8] =	ssyncset.s32 @!p0 $0xFFFFF086;
	s6 =	sadd.s32 @!p0 s3, s7;
	s7 =	simm.s32 @!p0 $0x108  }
0x21: {  	s3 =	sadd.s32 s3, s9;
	s6 =	sadd.s32 @!p0 $0x88, s6;
	s7 =	simm.s32 @p2 $0x1082  }
0x22: {  	[simem:s7], [sflag:s8] =	dma.local @!p0 [hbm:s6], $0xF7A  }
0x23: {  	s9 =	sor.u32 $0xD0000000, s2;
	s6 =	simm.s32 $0x108;
	_ =	swait.ge @!p0 [sflag:s8], $0x0  }
0x24: {  	s3 =	sadd.s32 $0x88, s3;
	s6 =	simm.s32 @!p1 $0x1082;
	[sflag:s4] =	ssyncset.s32 $0xFFFFF086  }
0x25: {  	[simem:s6], [sflag:s4] =	dma.local [hbm:s3], $0xF7A  }
0x26: {  	[smem:$0x3F9E] =	sst s1;
	(tag) =	ssettag s2;
	_ =	strace s9  }
0x27: {  	s1 =	sld [smem:$0x3FAE]  }
0x28: {  	s2 =	sld [smem:$0x3FAF]  }
0x29: {  	s4 =	sld [smem:$0x3FB1]  }
0x2a: {  	p0 =	seq.s32 s5, $0x0;
	s5 =	sld [smem:$0x3FB2]  }
0x2b: {  	s6 =	sld [smem:$0x3FB3]  }
0x2c: {  	s7 =	sld [smem:$0x3FB4]  }
0x2d: {  	s3 =	simm.s32 $0x108;
	s8 =	sld [smem:$0x3FB5]  }
0x2e: {  	s3 =	simm.s32 @!p0 $0x1082;
	s9 =	sld [smem:$0x3FB6]  }
0x2f: {  	lr =	sadd.s32 s0, s3;
	s0 =	sld [smem:$0x3FAD]  }
0x30: {  	s3 =	sld [smem:$0x3FB0]  }
0x31: {  	[smem:$0x3FB9] =	sst s10  }
0x32: {  	s10 =	sld [smem:$0x3FB7];
	_ =	sdelay $0x3  }
0x33: {  	p0 =	seq.s32 s10, $0x1;
	s10 =	sld [smem:$0x3FB9];
	_ =	sdelay $0x3  }
0x34: {  	[smem:$0x3FB9] =	sst s10  }
0x35: {  	s10 =	sld [smem:$0x3FB8];
	_ =	sdelay $0x3  }
0x36: {  	p1 =	seq.s32 s10, $0x1;
	s10 =	sld [smem:$0x3FB9];
	_ =	sdelay $0x3  }
0x37: {  	[smem:$0x3FB9] =	sst s10  }
0x38: {  	s10 =	sld [smem:$0x3FBA]  }
0x39: {  	_ = 	snop;
	(pc) =	sbr.ind lr, $3  }
0x3a: {  	_ = 	snop  }
0x3b: {  	_ = 	snop  }
0x3c: {  	p2 =	seq.s32 s10, $0x1;
	s10 =	sld [smem:$0x3FB9]  }
0x3d: {  	_ =	shalt  }
0x3e: {  	_ =	shalt  }
0x3f: {  	_ =	shalt  }
0x40: {  	_ =	shalt  }
0x41: {  	_ =	shalt  }
0x42: {  	_ =	shalt  }
0x43: {  	_ =	shalt  }
0x44: {  	_ =	shalt  }
0x45: {  	_ =	shalt  }
0x46: {  	_ =	shalt  }
0x47: {  	_ =	shalt  }
0x48: {  	_ =	shalt  }
0x49: {  	_ =	shalt  }
0x4a: {  	_ =	shalt  }
0x4b: {  	_ =	shalt  }
0x4c: {  	_ =	shalt  }
0x4d: {  	_ =	shalt  }
0x4e: {  	_ =	shalt  }
0x4f: {  	_ =	shalt  }
0x50: {  	_ =	shalt  }
0x51: {  	_ =	shalt  }
0x52: {  	_ =	shalt  }
0x53: {  	_ =	shalt  }
0x54: {  	_ =	shalt  }
0x55: {  	_ =	shalt  }
0x56: {  	_ =	shalt  }
0x57: {  	_ =	shalt  }
0x58: {  	_ =	shalt  }
0x59: {  	_ =	shalt  }
0x5a: {  	_ =	shalt  }
0x5b: {  	_ =	shalt  }
0x5c: {  	_ =	shalt  }
0x5d: {  	_ =	shalt  }
0x5e: {  	_ =	shalt  }
0x5f: {  	_ =	shalt  }
0x60: {  	_ =	shalt  }
0x61: {  	_ =	shalt  }
0x62: {  	_ =	shalt  }
0x63: {  	_ =	shalt  }
0x64: {  	_ =	shalt  }
0x65: {  	_ =	shalt  }
0x66: {  	_ =	shalt  }
0x67: {  	_ =	shalt  }
0x68: {  	_ =	shalt  }
0x69: {  	_ =	shalt  }
0x6a: {  	_ =	shalt  }
0x6b: {  	_ =	shalt  }
0x6c: {  	_ =	shalt  }
0x6d: {  	_ =	shalt  }
0x6e: {  	_ =	shalt  }
0x6f: {  	_ =	shalt  }
0x70: {  	_ =	shalt  }
0x71: {  	_ =	shalt  }
0x72: {  	_ =	shalt  }
0x73: {  	_ =	shalt  }
0x74: {  	_ =	shalt  }
0x75: {  	_ =	shalt  }
0x76: {  	_ =	shalt  }
0x77: {  	_ =	shalt  }
0x78: {  	_ =	shalt  }
0x79: {  	_ =	shalt  }
0x7a: {  	_ =	shalt  }
0x7b: {  	_ =	shalt  }
0x7c: {  	_ =	shalt  }
0x7d: {  	_ =	shalt  }
0x7e: {  	_ =	shalt  }
0x7f: {  	_ =	shalt  }
0x80: {  	_ =	shalt  }
0x81: {  	_ =	shalt  }
0x82: {  	_ =	shalt  }
0x83: {  	_ =	shalt  }
0x84: {  	_ =	shalt  }
0x85: {  	_ =	shalt  }
0x86: {  	_ =	shalt  }
0x87: {  	_ =	shalt  }
.Lfunc_end0:
.L_simem_size_0:
called_computation_lowered:
.L_overlay_start_0:
0x88: {  	s2 =	sld [smem:$0x3FD9]  }
0x89: {  	s3 =	sld [smem:$0x3FFE];
	_ =	sdelay $0x1  }
0x8a: {  	s1 =	srdreg.scid  }
0x8b: {  	s0 =	sand.u32 $0x1, s1  }
0x8c: {  	s17 =	sshll.u32 s0, $0xA;
	s2 =	sadd.s32 s3, s2  }
0x8d: {  	s2 =	sadd.s32 s2, s17  }
0x8e: {  	[smem:$0x3FC5] =	sst s2  }
0x8f: {  	_ = 	snop  }
0x90: {  	s2 =	sld [smem:$0x3FC7]  }
0x91: {  	s18 =	sld [smem:$0x3FD0];
	(tm) =	ssettm $0x1  }
0x92: {  	s4 =	sld [smem:$0x3FFB];
	_ =	sdelay $0x3  }
0x93: {  	_ =	strace s4  }
0x94: {  	s4 =	sld [smem:$0x3FFC];
	_ =	sdelay $0x3  }
0x95: {  	_ =	strace s4  }
0x96: {  	s4 =	sld [smem:$0x3FFD];
	_ =	sdelay $0x3  }
0x97: {  	_ =	strace s4  }
0x98: {  	_ =	strace $0x8FFFFFFF  }
0x99: {  	s19 =	sld [smem:$0x3FDB];
	_ =	sdelay $0x1  }
0x9a: {  	s5 =	simm.s32 $_scs_section_size  }
0x9b: {  	s6 =	simm.s32 $_size__tile_overlayer_lowered;
	s7 =	simm.s32 $_tile_overlayer_lowered  }
0x9c: {  	s22 =	simm.s32 $0x1BFF;
	s21 =	sshll.u32 s7, $0x1;
	s4 =	sadd.s32 s5, s19  }
0x9d: {  	s8 =	simm.s32 $0x0;
	s20 =	sshll.u32 s6, $0x1;
	s6 =	sadd.s32 s21, s4  }
0x9e: {  	[timem:s8], [sflag:s22] =	dma.local [hbm:s6], s20  }
0x9f: {  	_ =	swait.ge [sflag:s22], s20  }
0xa0: {  	s5 =	ssub.s32 $0x0, s20;
	[sflag:s22] =	ssyncset.done $0x0  }
0xa1: {  	[sflag:s22] =	ssyncadd.s32 s5;
	_ =	sdelay $0x1  }
0xa2: {  	s23 =	simm.s32 $0x1B8B  }
0xa3: {  	_ =	swait.ge [sflag:s23], $0x1  }
0xa4: {  	[sflag:s23] =	ssyncset.done $0x0  }
0xa5: {  	s25 =	simm.s32 $0x1B8E;
	s24 =	sld [smem:$0x3FFE];
	[sflag:s23] =	ssyncadd.s32 $0xFFFFFFFF  }
0xa6: {  	s26 =	simm.s32 $execute0_lowered;
	[smem:$0x3FD2] =	sst s25  }
0xa7: {  	s6 =	sshll.u32 s26, $0x1;
	_ =	strace $0x80000046;
	[dreg:$0x1] =	wrdreg $0xFFFFFFFF  }
0xa8: {  	s28 =	simm.s32 $_size_execute0_lowered;
	s4 =	sadd.s32 s4, s6;
	[dreg:$0x0] =	wrdreg $0x0  }
0xa9: {  	s6 =	sshll.u32 s28, $0x1;
	[dreg:$0x2] =	wrdreg s4  }
0xaa: {  	[dreg:$0x3] =	wrdreg s6  }
0xab: {  	[dreg:$0x4] =	wrdreg $0xC0  }
0xac: {  	_ =	task [dreg:s8], $0x5FFFF  }
0xad: {  	[dreg:$0x1] =	wrdreg $0xFFFFFFFF  }
0xae: {  	[dreg:$0x0] =	wrdreg $0x60  }
0xaf: {  	[dreg:$0x2] =	wrdreg s24  }
0xb0: {  	[dreg:$0x3] =	wrdreg s2  }
0xb1: {  	[dreg:$0x4] =	wrdreg s18  }
0xb2: {  	[dreg:$0x5] =	wrdreg $0x9  }
0xb3: {  	_ =	task.clear_ibuf [dreg:s8], $0x6FFFF;
	_ =	strace $0x90000046  }
0xb4: {  	s29 =	simm.s32 $0x9;
	_ =	strace $0x80000048  }
0xb5: {  	_ =	swait.ge [sflag:s29], $0x1  }
0xb6: {  	[sflag:s29] =	ssyncadd.s32 $0xFFFFFFFF  }
0xb7: {  	_ =	strace $0x90000048  }
0xb8: {  	_ =	sfence  }
0xb9: {  	s30 =	sld [smem:$0x0];
	_ =	sdelay $0x2  }
0xba: {  	s31 =	sshll.u32 s1, $0xD;
	s1 =	sshrl.u32 s1, $0x2  }
0xbb: {  	s3 =	sand.u32 $0x4000, s31;
	s1 =	sadd.s32 s1, s30  }
0xbc: {  	s0 =	sor.u32 s3, s0;
	s1 =	sshll.u32 s1, $0x11  }
0xbd: {  	s0 =	sor.u32 s1, s0  }
0xbe: {  	s0 =	sadd.s32 $0x8F2B, s0  }
0xbf: {  	[sflag:s0] =	ssyncadd.remote.s32 $0x1  }
0xc0: {  	_ =	sfence.sel $0xFFFF  }
0xc1: {  	[dreg:$0x0] =	wrdreg $0xFFFFFFFF;
	(pc) =	sbr.abs _section_cstart, $3  }
0xc2: {  	[dreg:$0x1] =	wrdreg $0xFFFFFFFF  }
0xc3: {  	_ =	task.clear_ibuf [dreg:s8], $0x2FFFF;
	_ =	strace $0x9FFFFFFF  }
0xc4: {  	(tm) =	ssettm $0x7FFFFFFF  }
0xc5: {  	_ =	shalt  }
tec
execute0_lowered:
.L_overlay_start_1:
0x0: {  	(tag) =	ssettag $0x1  }
0x1: {  	s0 =	rddreg [dreg:$0x0]  }
0x2: {  	s1 =	rddreg [dreg:$0x2];
	s2 =	srdreg.scid  }
0x3: {  	s3 =	simm.s32 $0x0;
	s4 =	stileid.u32;
	s28 =	simm.s32 $0x100  }
0x4: {  	s29 =	simm.s32 $0x8180;
	s30 =	simm.s32 $0x1;
	s31 =	simm.s32 $0x2  }
0x5: {  	s2 =	sand.u32 $0x1, s2;
	[smem:$0x7FF] =	sst s3;
	s4 =	sshll.u32 s4, $0xA  }
0x6: {  	s7 =	sadd.s32 $0xC0800, s0;
	s5 =	sshll.u32 s2, $0x9;
	s2 =	ssub.s32 $0x2, s2  }
0x7: {  	_ =	strace $0x80000047;
	s6 =	sor.u32 s5, s4;
	s20 =	sshrl.u32 s2, $0x1  }
0x8: {  	s4 =	sadd.s32 $0x800, s0;
	s5 =	sshrl.u32 s6, $0x3;
	s0 =	ssub.s32 s2, s20  }
0x9: {  	s22 =	sor.u32 $0x80, s6;
	s23 =	sshll.u32 s6, $0x4;
	s15 =	sor.u32 $0x100, s6  }
0xa: {  	s6 =	sor.u32 $0x180, s6;
	s5 =	sadd.s32 s7, s5;
	s9 =	sshrl.u32 s22, $0x3  }
0xb: {  	s2 =	sshll.u32 s22, $0x4;
	s13 =	sshrl.u32 s15, $0x3;
	s24 =	sshll.u32 s15, $0x4  }
0xc: {  	s25 =	sshrl.u32 s6, $0x3;
	s26 =	sshll.u32 s6, $0x4;
	s21 =	sadd.s32 $0x800, s5  }
0xd: {  	s8 =	sadd.s32 $0x1000, s5;
	s9 =	sadd.s32 s7, s9;
	s10 =	sadd.s32 $0x810, s5  }
0xe: {  	s11 =	sadd.s32 $0x1010, s5;
	s12 =	sadd.s32 s1, s2;
	s13 =	sadd.s32 s7, s13  }
0xf: {  	s14 =	sadd.s32 $0x820, s5;
	s15 =	sadd.s32 $0x1020, s5;
	s16 =	sadd.s32 s1, s24  }
0x10: {  	s17 =	sadd.s32 s7, s25;
	s18 =	sadd.s32 $0x830, s5;
	s19 =	sadd.s32 $0x1030, s5  }
0x11: {  	s20 =	sadd.s32 s1, s26;
	s24 =	simm.s32 $0x80;
	s25 =	simm.s32 $0x180  }
0x12: {  	s26 =	simm.s32 $0x4180;
	s2 =	simm.s32 $0xC180;
	[dreg:$0x4] =	wrdreg s21  }
0x13: {  	[dreg:$0x5] =	wrdreg s8;
	s8 =	sadd.s32 s1, s23;
	s21 =	smax.u32 s0, $0x1  }
0x14: {  	s23 =	simm.s32 $0x4;
	s0 =	simm.s32 $0x3;
	s1 =	simm.s32 $0x0  }
.LBB2_1:
0x15: {  	s6 =	rddreg [dreg:$0x1];
	s7 =	simm.s32 $0x10180  }
0x16: {  	[tilespmem:s7], [sflag:$0x4] =	stream.linear.gather [hbm4b:s6+s3], $0x80, $0x38;
	[tilespmem:$0x10200] =	vst v63  }
0x17: {  	_ =	swait.ge [sflag:s23], $0x80  }
0x18: {  	[sflag:s23] =	ssyncset.done $0x0  }
0x19: {  	[sflag:s23] =	ssyncadd.s32 $0xFFFFFF80  }
0x1a: {  	[tilespmem:s3], [sflag:$0x4] =	stream.linear.gather [hbm4b:s5+s3], $0x80, $0x38;
	[tilespmem:$0x10200] =	vst v63  }
0x1b: {  	_ =	swait.ge [sflag:s23], $0x80  }
0x1c: {  	[sflag:s23] =	ssyncset.done $0x0  }
0x1d: {  	[sflag:s23] =	ssyncadd.s32 $0xFFFFFF80  }
0x1e: {  	[tilespmem:s25], [sflag:$0x1] =	stream.indirect.gather [hbm4b:s4+s24], $0x80, s3, s24, $0xb8;
	[tilespmem:$0x10200] =	vst v63  }
0x1f: {  	s7 =	rddreg [dreg:$0x4]  }
0x20: {  	[tilespmem:s24], [sflag:$0x4] =	stream.linear.gather [hbm4b:s7+s3], $0x80, $0x38;
	[tilespmem:$0x10200] =	vst v63  }
0x21: {  	_ =	swait.ge [sflag:s23], $0x80  }
0x22: {  	[sflag:s23] =	ssyncset.done $0x0  }
0x23: {  	[sflag:s23] =	ssyncadd.s32 $0xFFFFFF80  }
0x24: {  	[tilespmem:s26], [sflag:$0x2] =	stream.indirect.gather [hbm4b:s4+s24], $0x80, s24, s24, $0xb8;
	[tilespmem:$0x10200] =	vst v63  }
0x25: {  	s22 =	rddreg [dreg:$0x5]  }
0x26: {  	[tilespmem:s28], [sflag:$0x4] =	stream.linear.gather [hbm4b:s22+s3], $0x80, $0x38;
	[tilespmem:$0x10200] =	vst v63  }
0x27: {  	_ =	swait.ge [sflag:s23], $0x80  }
0x28: {  	[sflag:s23] =	ssyncset.done $0x0  }
0x29: {  	[sflag:s23] =	ssyncadd.s32 $0xFFFFFF80  }
0x2a: {  	[tilespmem:s29], [sflag:$0x3] =	stream.indirect.gather [hbm4b:s4+s24], $0x80, s28, s24, $0xb8;
	[tilespmem:$0x10200] =	vst v63  }
0x2b: {  	_ =	swait.ge [sflag:s30], $0x4000  }
0x2c: {  	[sflag:s30] =	ssyncset.done $0x0  }
0x2d: {  	[sflag:s30] =	ssyncadd.s32 $0xFFFFC000  }
0x2e: {  	_ =	swait.ge [sflag:s31], $0x4000  }
0x2f: {  	[sflag:s31] =	ssyncset.done $0x0  }
0x30: {  	[sflag:s31] =	ssyncadd.s32 $0xFFFFC000  }
0x31: {  	_ =	swait.ge [sflag:s0], $0x4000  }
0x32: {  	[sflag:s0] =	ssyncset.done $0x0  }
0x33: {  	s22 =	simm.s32 $0x0;
	[sflag:s0] =	ssyncadd.s32 $0xFFFFC000  }
0x34: {  	v0 =	vld [tilespmem:s22+$0x180]  }
0x35: {  	v1 =	vld [tilespmem:s22+$0x4180];
	_ =	sdelay $0x1  }
0x36: {  	v2 =	vld [tilespmem:s22+$0x8180];
	_ =	sdelay $0x1  }
0x37: {  	v3 =	vld [tilespmem:$0x10180]  }
0x38: {  	v0 =	vadd.f32 v1, v0;
	_ =	sdelay $0x1  }
0x39: {  	v0 =	vadd.f32 v2, v0  }
0x3a: {  	v1 =	vld [tilespmem:s22+$0x190]  }
0x3b: {  	v2 =	vld [tilespmem:s22+$0x4190];
	v0 =	vadd.f32 v3, v0;
	_ =	sdelay $0x1  }
0x3c: {  	v3 =	vld [tilespmem:s22+$0x8190];
	v0 =	vmax.f32 v0, $0.0e+00  }
0x3d: {  	[tilespmem:s22+$0xC180] =	vst v0  }
0x3e: {  	v0 =	vld [tilespmem:$0x10190]  }
0x3f: {  	v1 =	vadd.f32 v2, v1;
	_ =	sdelay $0x1  }
0x40: {  	v1 =	vadd.f32 v3, v1  }
0x41: {  	v2 =	vld [tilespmem:s22+$0x1A0]  }
0x42: {  	v0 =	vadd.f32 v0, v1;
	v1 =	vld [tilespmem:s22+$0x41A0];
	_ =	sdelay $0x1  }
0x43: {  	v3 =	vld [tilespmem:s22+$0x81A0];
	v0 =	vmax.f32 v0, $0.0e+00  }
0x44: {  	[tilespmem:s22+$0xC190] =	vst v0  }
0x45: {  	v0 =	vld [tilespmem:$0x101A0]  }
0x46: {  	v1 =	vadd.f32 v1, v2;
	_ =	sdelay $0x1  }
0x47: {  	v1 =	vadd.f32 v3, v1  }
0x48: {  	v2 =	vld [tilespmem:s22+$0x1B0]  }
0x49: {  	v0 =	vadd.f32 v0, v1;
	v1 =	vld [tilespmem:s22+$0x41B0];
	_ =	sdelay $0x1  }
0x4a: {  	v3 =	vld [tilespmem:s22+$0x81B0];
	v0 =	vmax.f32 v0, $0.0e+00  }
0x4b: {  	[tilespmem:s22+$0xC1A0] =	vst v0  }
0x4c: {  	v0 =	vld [tilespmem:$0x101B0]  }
0x4d: {  	v1 =	vadd.f32 v1, v2;
	_ =	sdelay $0x1  }
0x4e: {  	v1 =	vadd.f32 v3, v1  }
0x4f: {  	v2 =	vld [tilespmem:s22+$0x1C0]  }
0x50: {  	v0 =	vadd.f32 v0, v1;
	v1 =	vld [tilespmem:s22+$0x41C0];
	_ =	sdelay $0x1  }
0x51: {  	v3 =	vld [tilespmem:s22+$0x81C0];
	v0 =	vmax.f32 v0, $0.0e+00  }
0x52: {  	[tilespmem:s22+$0xC1B0] =	vst v0  }
0x53: {  	v0 =	vld [tilespmem:$0x101C0]  }
0x54: {  	v1 =	vadd.f32 v1, v2;
	_ =	sdelay $0x1  }
0x55: {  	v1 =	vadd.f32 v3, v1  }
0x56: {  	v2 =	vld [tilespmem:s22+$0x1D0]  }
0x57: {  	v3 =	vld [tilespmem:s22+$0x41D0];
	v0 =	vadd.f32 v0, v1;
	_ =	sdelay $0x1  }
0x58: {  	v4 =	vld [tilespmem:s22+$0x81D0];
	v0 =	vmax.f32 v0, $0.0e+00  }
0x59: {  	[tilespmem:s22+$0xC1C0] =	vst v0  }
0x5a: {  	v1 =	vld [tilespmem:$0x101D0]  }
0x5b: {  	v0 =	vadd.f32 v3, v2;
	_ =	sdelay $0x1  }
0x5c: {  	s7 =	simm.s32 $0x80;
	v2 =	vadd.f32 v4, v0  }
0x5d: {  	s6 =	simm.s32 $0x400;
	v0 =	vld [tilespmem:s7+$0x180]  }
.LBB2_2:
0x5e: {  	p0 =	sne.s32 s6, $0xFE00;
	v3 =	vld [tilespmem:s7+$0x4180];
	v1 =	vadd.f32 v1, v2;
	_ =	sdelay $0x1  }
0x5f: {  	v2 =	vld [tilespmem:s7+$0x8180];
	v1 =	vmax.f32 v1, $0.0e+00  }
0x60: {  	[tilespmem:s22+$0xC1D0] =	vst v1;
	s22 =	smov.u32 s7  }
0x61: {  	v1 =	vld [tilespmem:$0x10180]  }
0x62: {  	v0 =	vadd.f32 v3, v0;
	_ =	sdelay $0x1  }
0x63: {  	v0 =	vadd.f32 v2, v0  }
0x64: {  	v2 =	vld [tilespmem:s22+$0x190]  }
0x65: {  	v0 =	vadd.f32 v1, v0;
	v1 =	vld [tilespmem:s22+$0x4190];
	_ =	sdelay $0x1  }
0x66: {  	v0 =	vmax.f32 v0, $0.0e+00;
	v3 =	vld [tilespmem:s22+$0x8190]  }
0x67: {  	[tilespmem:s22+$0xC180] =	vst v0  }
0x68: {  	v0 =	vld [tilespmem:$0x10190]  }
0x69: {  	v1 =	vadd.f32 v1, v2;
	_ =	sdelay $0x1  }
0x6a: {  	v1 =	vadd.f32 v3, v1  }
0x6b: {  	v2 =	vld [tilespmem:s22+$0x1A0]  }
0x6c: {  	v0 =	vadd.f32 v0, v1;
	v1 =	vld [tilespmem:s22+$0x41A0];
	_ =	sdelay $0x1  }
0x6d: {  	v0 =	vmax.f32 v0, $0.0e+00;
	v3 =	vld [tilespmem:s22+$0x81A0]  }
0x6e: {  	[tilespmem:s22+$0xC190] =	vst v0  }
0x6f: {  	v0 =	vld [tilespmem:$0x101A0]  }
0x70: {  	v1 =	vadd.f32 v1, v2;
	_ =	sdelay $0x1  }
0x71: {  	v1 =	vadd.f32 v3, v1  }
0x72: {  	v2 =	vld [tilespmem:s22+$0x1B0]  }
0x73: {  	v0 =	vadd.f32 v0, v1;
	v1 =	vld [tilespmem:s22+$0x41B0];
	_ =	sdelay $0x1  }
0x74: {  	v0 =	vmax.f32 v0, $0.0e+00;
	v3 =	vld [tilespmem:s22+$0x81B0]  }
0x75: {  	[tilespmem:s22+$0xC1A0] =	vst v0  }
0x76: {  	v0 =	vld [tilespmem:$0x101B0]  }
0x77: {  	v1 =	vadd.f32 v1, v2;
	_ =	sdelay $0x1  }
0x78: {  	v1 =	vadd.f32 v3, v1  }
0x79: {  	v2 =	vld [tilespmem:s22+$0x1C0]  }
0x7a: {  	v0 =	vadd.f32 v0, v1;
	v1 =	vld [tilespmem:s22+$0x41C0];
	_ =	sdelay $0x1  }
0x7b: {  	v0 =	vmax.f32 v0, $0.0e+00;
	v3 =	vld [tilespmem:s22+$0x81C0]  }
0x7c: {  	[tilespmem:s22+$0xC1B0] =	vst v0  }
0x7d: {  	v0 =	vld [tilespmem:$0x101C0]  }
0x7e: {  	v1 =	vadd.f32 v1, v2;
	_ =	sdelay $0x1  }
0x7f: {  	v1 =	vadd.f32 v3, v1  }
0x80: {  	v2 =	vld [tilespmem:s22+$0x1D0]  }
0x81: {  	v0 =	vadd.f32 v0, v1;
	v3 =	vld [tilespmem:s22+$0x41D0];
	_ =	sdelay $0x1  }
0x82: {  	v0 =	vmax.f32 v0, $0.0e+00;
	v4 =	vld [tilespmem:s22+$0x81D0]  }
0x83: {  	[tilespmem:s22+$0xC1C0] =	vst v0  }
.Ltmp0:
0x84: {  	v1 =	vld [tilespmem:$0x101D0];
	(pc) =	sbr.rel @p0 .LBB2_2-.Ltmp0, $3  }
0x85: {  	v0 =	vadd.f32 v3, v2;
	_ =	sdelay $0x1  }
0x86: {  	s7 =	sshra.s32 s6, $0x2;
	v2 =	vadd.f32 v4, v0  }
0x87: {  	s6 =	sadd.s32 $0x200, s6;
	v0 =	vld [tilespmem:s7+$0x180]  }
0x88: {  	v3 =	vld [tilespmem:s7+$0x4180];
	v1 =	vadd.f32 v1, v2;
	_ =	sdelay $0x1  }
0x89: {  	v2 =	vld [tilespmem:s7+$0x8180];
	v1 =	vmax.f32 v1, $0.0e+00  }
0x8a: {  	[tilespmem:s22+$0xC1D0] =	vst v1  }
0x8b: {  	v1 =	vld [tilespmem:$0x10180]  }
0x8c: {  	v0 =	vadd.f32 v3, v0;
	_ =	sdelay $0x1  }
0x8d: {  	v0 =	vadd.f32 v2, v0  }
0x8e: {  	v2 =	vld [tilespmem:s7+$0x190]  }
0x8f: {  	v0 =	vadd.f32 v1, v0;
	v1 =	vld [tilespmem:s7+$0x4190];
	_ =	sdelay $0x1  }
0x90: {  	v3 =	vld [tilespmem:s7+$0x8190];
	v0 =	vmax.f32 v0, $0.0e+00  }
0x91: {  	[tilespmem:s7+$0xC180] =	vst v0  }
0x92: {  	v0 =	vld [tilespmem:$0x10190]  }
0x93: {  	v1 =	vadd.f32 v1, v2;
	_ =	sdelay $0x1  }
0x94: {  	v1 =	vadd.f32 v3, v1  }
0x95: {  	v2 =	vld [tilespmem:s7+$0x1A0]  }
0x96: {  	v0 =	vadd.f32 v0, v1;
	v1 =	vld [tilespmem:s7+$0x41A0];
	_ =	sdelay $0x1  }
0x97: {  	v3 =	vld [tilespmem:s7+$0x81A0];
	v0 =	vmax.f32 v0, $0.0e+00  }
0x98: {  	[tilespmem:s7+$0xC190] =	vst v0  }
0x99: {  	v0 =	vld [tilespmem:$0x101A0]  }
0x9a: {  	v1 =	vadd.f32 v1, v2;
	_ =	sdelay $0x1  }
0x9b: {  	v1 =	vadd.f32 v3, v1  }
0x9c: {  	v2 =	vld [tilespmem:s7+$0x1B0]  }
0x9d: {  	v0 =	vadd.f32 v0, v1;
	v1 =	vld [tilespmem:s7+$0x41B0];
	_ =	sdelay $0x1  }
0x9e: {  	v3 =	vld [tilespmem:s7+$0x81B0];
	v0 =	vmax.f32 v0, $0.0e+00  }
0x9f: {  	[tilespmem:s7+$0xC1A0] =	vst v0  }
0xa0: {  	v0 =	vld [tilespmem:$0x101B0]  }
0xa1: {  	v1 =	vadd.f32 v1, v2;
	_ =	sdelay $0x1  }
0xa2: {  	v1 =	vadd.f32 v3, v1  }
0xa3: {  	v2 =	vld [tilespmem:s7+$0x1C0]  }
0xa4: {  	v0 =	vadd.f32 v0, v1;
	v1 =	vld [tilespmem:s7+$0x41C0];
	_ =	sdelay $0x1  }
0xa5: {  	v3 =	vld [tilespmem:s7+$0x81C0];
	v0 =	vmax.f32 v0, $0.0e+00  }
0xa6: {  	[tilespmem:s7+$0xC1B0] =	vst v0  }
0xa7: {  	v0 =	vld [tilespmem:$0x101C0]  }
0xa8: {  	v1 =	vadd.f32 v1, v2;
	_ =	sdelay $0x1  }
0xa9: {  	v1 =	vadd.f32 v3, v1  }
0xaa: {  	v2 =	vld [tilespmem:s7+$0x1D0]  }
0xab: {  	v0 =	vadd.f32 v0, v1;
	v1 =	vld [tilespmem:s7+$0x41D0];
	_ =	sdelay $0x1  }
0xac: {  	v3 =	vld [tilespmem:s7+$0x81D0];
	v0 =	vmax.f32 v0, $0.0e+00  }
0xad: {  	[tilespmem:s7+$0xC1C0] =	vst v0  }
0xae: {  	v0 =	vld [tilespmem:$0x101D0]  }
0xaf: {  	v1 =	vadd.f32 v1, v2;
	_ =	sdelay $0x1  }
0xb0: {  	v1 =	vadd.f32 v3, v1;
	_ =	sdelay $0x1  }
0xb1: {  	v0 =	vadd.f32 v0, v1;
	_ =	sdelay $0x1  }
0xb2: {  	v0 =	vmax.f32 v0, $0.0e+00  }
0xb3: {  	s6 =	simm.s32 $0x0;
	[tilespmem:s7+$0xC1D0] =	vst v0  }
0xb4: {  	[hbm4b:s8+s6] =	stream.linear.scatter [tilespmem:s2], [sflag:$0x4], $0x4000, $0x38;
	[tilespmem:$0x10200] =	vst v63  }
0xb5: {  	_ =	swait.ge [sflag:s23], $0x4000  }
0xb6: {  	[sflag:s23] =	ssyncset.done $0x0  }
0xb7: {  	[sflag:s23] =	ssyncadd.s32 $0xFFFFC000  }
0xb8: {  	[tilespmem:s6], [sflag:$0x4] =	stream.linear.gather [hbm4b:s9+s6], $0x80, $0x38;
	[tilespmem:$0x10200] =	vst v63  }
0xb9: {  	_ =	swait.ge [sflag:s23], $0x80  }
0xba: {  	[sflag:s23] =	ssyncset.done $0x0  }
0xbb: {  	[sflag:s23] =	ssyncadd.s32 $0xFFFFFF80  }
0xbc: {  	[tilespmem:s25], [sflag:$0x1] =	stream.indirect.gather [hbm4b:s4+s24], $0x80, s6, s24, $0xb8;
	[tilespmem:$0x10200] =	vst v63  }
0xbd: {  	_ = 	snop  }
0xbe: {  	[tilespmem:s24], [sflag:$0x4] =	stream.linear.gather [hbm4b:s10+s6], $0x80, $0x38;
	[tilespmem:$0x10200] =	vst v63  }
0xbf: {  	_ =	swait.ge [sflag:s23], $0x80  }
0xc0: {  	[sflag:s23] =	ssyncset.done $0x0  }
0xc1: {  	[sflag:s23] =	ssyncadd.s32 $0xFFFFFF80  }
0xc2: {  	[tilespmem:s26], [sflag:$0x2] =	stream.indirect.gather [hbm4b:s4+s24], $0x80, s24, s24, $0xb8;
	[tilespmem:$0x10200] =	vst v63  }
0xc3: {  	_ = 	snop  }
0xc4: {  	[tilespmem:s28], [sflag:$0x4] =	stream.linear.gather [hbm4b:s11+s6], $0x80, $0x38;
	[tilespmem:$0x10200] =	vst v63  }
0xc5: {  	_ =	swait.ge [sflag:s23], $0x80  }
0xc6: {  	[sflag:s23] =	ssyncset.done $0x0  }
0xc7: {  	[sflag:s23] =	ssyncadd.s32 $0xFFFFFF80  }
0xc8: {  	[tilespmem:s29], [sflag:$0x3] =	stream.indirect.gather [hbm4b:s4+s24], $0x80, s28, s24, $0xb8;
	[tilespmem:$0x10200] =	vst v63  }
0xc9: {  	_ =	swait.ge [sflag:s30], $0x4000  }
0xca: {  	[sflag:s30] =	ssyncset.done $0x0  }
0xcb: {  	[sflag:s30] =	ssyncadd.s32 $0xFFFFC000  }
0xcc: {  	_ =	swait.ge [sflag:s31], $0x4000  }
0xcd: {  	[sflag:s31] =	ssyncset.done $0x0  }
0xce: {  	[sflag:s31] =	ssyncadd.s32 $0xFFFFC000  }
0xcf: {  	_ =	swait.ge [sflag:s0], $0x4000  }
0xd0: {  	[sflag:s0] =	ssyncset.done $0x0  }
0xd1: {  	s22 =	simm.s32 $0x0;
	[sflag:s0] =	ssyncadd.s32 $0xFFFFC000  }
0xd2: {  	v0 =	vld [tilespmem:s22+$0x180]  }
0xd3: {  	v1 =	vld [tilespmem:s22+$0x4180];
	_ =	sdelay $0x1  }
0xd4: {  	v2 =	vld [tilespmem:s22+$0x8180];
	_ =	sdelay $0x1  }
0xd5: {  	v3 =	vld [tilespmem:$0x10180]  }
0xd6: {  	v0 =	vadd.f32 v1, v0;
	_ =	sdelay $0x1  }
0xd7: {  	v0 =	vadd.f32 v2, v0  }
0xd8: {  	v1 =	vld [tilespmem:s22+$0x190]  }
0xd9: {  	v2 =	vld [tilespmem:s22+$0x4190];
	v0 =	vadd.f32 v3, v0;
	_ =	sdelay $0x1  }
0xda: {  	v3 =	vld [tilespmem:s22+$0x8190];
	v0 =	vmax.f32 v0, $0.0e+00  }
0xdb: {  	[tilespmem:s22+$0xC180] =	vst v0  }
0xdc: {  	v0 =	vld [tilespmem:$0x10190]  }
0xdd: {  	v1 =	vadd.f32 v2, v1;
	_ =	sdelay $0x1  }
0xde: {  	v1 =	vadd.f32 v3, v1  }
0xdf: {  	v2 =	vld [tilespmem:s22+$0x1A0]  }
0xe0: {  	v0 =	vadd.f32 v0, v1;
	v1 =	vld [tilespmem:s22+$0x41A0];
	_ =	sdelay $0x1  }
0xe1: {  	v3 =	vld [tilespmem:s22+$0x81A0];
	v0 =	vmax.f32 v0, $0.0e+00  }
0xe2: {  	[tilespmem:s22+$0xC190] =	vst v0  }
0xe3: {  	v0 =	vld [tilespmem:$0x101A0]  }
0xe4: {  	v1 =	vadd.f32 v1, v2;
	_ =	sdelay $0x1  }
0xe5: {  	v1 =	vadd.f32 v3, v1  }
0xe6: {  	v2 =	vld [tilespmem:s22+$0x1B0]  }
0xe7: {  	v0 =	vadd.f32 v0, v1;
	v1 =	vld [tilespmem:s22+$0x41B0];
	_ =	sdelay $0x1  }
0xe8: {  	v3 =	vld [tilespmem:s22+$0x81B0];
	v0 =	vmax.f32 v0, $0.0e+00  }
0xe9: {  	[tilespmem:s22+$0xC1A0] =	vst v0  }
0xea: {  	v0 =	vld [tilespmem:$0x101B0]  }
0xeb: {  	v1 =	vadd.f32 v1, v2;
	_ =	sdelay $0x1  }
0xec: {  	v1 =	vadd.f32 v3, v1  }
0xed: {  	v2 =	vld [tilespmem:s22+$0x1C0]  }
0xee: {  	v0 =	vadd.f32 v0, v1;
	v1 =	vld [tilespmem:s22+$0x41C0];
	_ =	sdelay $0x1  }
0xef: {  	v3 =	vld [tilespmem:s22+$0x81C0];
	v0 =	vmax.f32 v0, $0.0e+00  }
0xf0: {  	[tilespmem:s22+$0xC1B0] =	vst v0  }
0xf1: {  	v0 =	vld [tilespmem:$0x101C0]  }
0xf2: {  	v1 =	vadd.f32 v1, v2;
	_ =	sdelay $0x1  }
0xf3: {  	v1 =	vadd.f32 v3, v1  }
0xf4: {  	v2 =	vld [tilespmem:s22+$0x1D0]  }
0xf5: {  	v3 =	vld [tilespmem:s22+$0x41D0];
	v0 =	vadd.f32 v0, v1;
	_ =	sdelay $0x1  }
0xf6: {  	v4 =	vld [tilespmem:s22+$0x81D0];
	v0 =	vmax.f32 v0, $0.0e+00  }
0xf7: {  	[tilespmem:s22+$0xC1C0] =	vst v0  }
0xf8: {  	v1 =	vld [tilespmem:$0x101D0]  }
0xf9: {  	v0 =	vadd.f32 v3, v2;
	_ =	sdelay $0x1  }
0xfa: {  	s7 =	simm.s32 $0x80;
	v2 =	vadd.f32 v4, v0  }
0xfb: {  	s6 =	simm.s32 $0x400;
	v0 =	vld [tilespmem:s7+$0x180]  }
.LBB2_4:
0xfc: {  	p0 =	sne.s32 s6, $0xFE00;
	v3 =	vld [tilespmem:s7+$0x4180];
	v1 =	vadd.f32 v1, v2;
	_ =	sdelay $0x1  }
0xfd: {  	v2 =	vld [tilespmem:s7+$0x8180];
	v1 =	vmax.f32 v1, $0.0e+00  }
0xfe: {  	[tilespmem:s22+$0xC1D0] =	vst v1;
	s22 =	smov.u32 s7  }
0xff: {  	v1 =	vld [tilespmem:$0x10180]  }
0x100: {  	v0 =	vadd.f32 v3, v0;
	_ =	sdelay $0x1  }
0x101: {  	v0 =	vadd.f32 v2, v0  }
0x102: {  	v2 =	vld [tilespmem:s22+$0x190]  }
0x103: {  	v0 =	vadd.f32 v1, v0;
	v1 =	vld [tilespmem:s22+$0x4190];
	_ =	sdelay $0x1  }
0x104: {  	v0 =	vmax.f32 v0, $0.0e+00;
	v3 =	vld [tilespmem:s22+$0x8190]  }
0x105: {  	[tilespmem:s22+$0xC180] =	vst v0  }
0x106: {  	v0 =	vld [tilespmem:$0x10190]  }
0x107: {  	v1 =	vadd.f32 v1, v2;
	_ =	sdelay $0x1  }
0x108: {  	v1 =	vadd.f32 v3, v1  }
0x109: {  	v2 =	vld [tilespmem:s22+$0x1A0]  }
0x10a: {  	v0 =	vadd.f32 v0, v1;
	v1 =	vld [tilespmem:s22+$0x41A0];
	_ =	sdelay $0x1  }
0x10b: {  	v0 =	vmax.f32 v0, $0.0e+00;
	v3 =	vld [tilespmem:s22+$0x81A0]  }
0x10c: {  	[tilespmem:s22+$0xC190] =	vst v0  }
0x10d: {  	v0 =	vld [tilespmem:$0x101A0]  }
0x10e: {  	v1 =	vadd.f32 v1, v2;
	_ =	sdelay $0x1  }
0x10f: {  	v1 =	vadd.f32 v3, v1  }
0x110: {  	v2 =	vld [tilespmem:s22+$0x1B0]  }
0x111: {  	v0 =	vadd.f32 v0, v1;
	v1 =	vld [tilespmem:s22+$0x41B0];
	_ =	sdelay $0x1  }
0x112: {  	v0 =	vmax.f32 v0, $0.0e+00;
	v3 =	vld [tilespmem:s22+$0x81B0]  }
0x113: {  	[tilespmem:s22+$0xC1A0] =	vst v0  }
0x114: {  	v0 =	vld [tilespmem:$0x101B0]  }
0x115: {  	v1 =	vadd.f32 v1, v2;
	_ =	sdelay $0x1  }
0x116: {  	v1 =	vadd.f32 v3, v1  }
0x117: {  	v2 =	vld [tilespmem:s22+$0x1C0]  }
0x118: {  	v0 =	vadd.f32 v0, v1;
	v1 =	vld [tilespmem:s22+$0x41C0];
	_ =	sdelay $0x1  }
0x119: {  	v0 =	vmax.f32 v0, $0.0e+00;
	v3 =	vld [tilespmem:s22+$0x81C0]  }
0x11a: {  	[tilespmem:s22+$0xC1B0] =	vst v0  }
0x11b: {  	v0 =	vld [tilespmem:$0x101C0]  }
0x11c: {  	v1 =	vadd.f32 v1, v2;
	_ =	sdelay $0x1  }
0x11d: {  	v1 =	vadd.f32 v3, v1  }
0x11e: {  	v2 =	vld [tilespmem:s22+$0x1D0]  }
0x11f: {  	v0 =	vadd.f32 v0, v1;
	v3 =	vld [tilespmem:s22+$0x41D0];
	_ =	sdelay $0x1  }
0x120: {  	v0 =	vmax.f32 v0, $0.0e+00;
	v4 =	vld [tilespmem:s22+$0x81D0]  }
0x121: {  	[tilespmem:s22+$0xC1C0] =	vst v0  }
.Ltmp1:
0x122: {  	v1 =	vld [tilespmem:$0x101D0];
	(pc) =	sbr.rel @p0 .LBB2_4-.Ltmp1, $3  }
0x123: {  	v0 =	vadd.f32 v3, v2;
	_ =	sdelay $0x1  }
0x124: {  	s7 =	sshra.s32 s6, $0x2;
	v2 =	vadd.f32 v4, v0  }
0x125: {  	s6 =	sadd.s32 $0x200, s6;
	v0 =	vld [tilespmem:s7+$0x180]  }
0x126: {  	v3 =	vld [tilespmem:s7+$0x4180];
	v1 =	vadd.f32 v1, v2;
	_ =	sdelay $0x1  }
0x127: {  	v2 =	vld [tilespmem:s7+$0x8180];
	v1 =	vmax.f32 v1, $0.0e+00  }
0x128: {  	[tilespmem:s22+$0xC1D0] =	vst v1  }
0x129: {  	v1 =	vld [tilespmem:$0x10180]  }
0x12a: {  	v0 =	vadd.f32 v3, v0;
	_ =	sdelay $0x1  }
0x12b: {  	v0 =	vadd.f32 v2, v0  }
0x12c: {  	v2 =	vld [tilespmem:s7+$0x190]  }
0x12d: {  	v0 =	vadd.f32 v1, v0;
	v1 =	vld [tilespmem:s7+$0x4190];
	_ =	sdelay $0x1  }
0x12e: {  	v3 =	vld [tilespmem:s7+$0x8190];
	v0 =	vmax.f32 v0, $0.0e+00  }
0x12f: {  	[tilespmem:s7+$0xC180] =	vst v0  }
0x130: {  	v0 =	vld [tilespmem:$0x10190]  }
0x131: {  	v1 =	vadd.f32 v1, v2;
	_ =	sdelay $0x1  }
0x132: {  	v1 =	vadd.f32 v3, v1  }
0x133: {  	v2 =	vld [tilespmem:s7+$0x1A0]  }
0x134: {  	v0 =	vadd.f32 v0, v1;
	v1 =	vld [tilespmem:s7+$0x41A0];
	_ =	sdelay $0x1  }
0x135: {  	v3 =	vld [tilespmem:s7+$0x81A0];
	v0 =	vmax.f32 v0, $0.0e+00  }
0x136: {  	[tilespmem:s7+$0xC190] =	vst v0  }
0x137: {  	v0 =	vld [tilespmem:$0x101A0]  }
0x138: {  	v1 =	vadd.f32 v1, v2;
	_ =	sdelay $0x1  }
0x139: {  	v1 =	vadd.f32 v3, v1  }
0x13a: {  	v2 =	vld [tilespmem:s7+$0x1B0]  }
0x13b: {  	v0 =	vadd.f32 v0, v1;
	v1 =	vld [tilespmem:s7+$0x41B0];
	_ =	sdelay $0x1  }
0x13c: {  	v3 =	vld [tilespmem:s7+$0x81B0];
	v0 =	vmax.f32 v0, $0.0e+00  }
0x13d: {  	[tilespmem:s7+$0xC1A0] =	vst v0  }
0x13e: {  	v0 =	vld [tilespmem:$0x101B0]  }
0x13f: {  	v1 =	vadd.f32 v1, v2;
	_ =	sdelay $0x1  }
0x140: {  	v1 =	vadd.f32 v3, v1  }
0x141: {  	v2 =	vld [tilespmem:s7+$0x1C0]  }
0x142: {  	v0 =	vadd.f32 v0, v1;
	v1 =	vld [tilespmem:s7+$0x41C0];
	_ =	sdelay $0x1  }
0x143: {  	v3 =	vld [tilespmem:s7+$0x81C0];
	v0 =	vmax.f32 v0, $0.0e+00  }
0x144: {  	[tilespmem:s7+$0xC1B0] =	vst v0  }
0x145: {  	v0 =	vld [tilespmem:$0x101C0]  }
0x146: {  	v1 =	vadd.f32 v1, v2;
	_ =	sdelay $0x1  }
0x147: {  	v1 =	vadd.f32 v3, v1  }
0x148: {  	v2 =	vld [tilespmem:s7+$0x1D0]  }
0x149: {  	v0 =	vadd.f32 v0, v1;
	v1 =	vld [tilespmem:s7+$0x41D0];
	_ =	sdelay $0x1  }
0x14a: {  	v3 =	vld [tilespmem:s7+$0x81D0];
	v0 =	vmax.f32 v0, $0.0e+00  }
0x14b: {  	[tilespmem:s7+$0xC1C0] =	vst v0  }
0x14c: {  	v0 =	vld [tilespmem:$0x101D0]  }
0x14d: {  	v1 =	vadd.f32 v1, v2;
	_ =	sdelay $0x1  }
0x14e: {  	v1 =	vadd.f32 v3, v1;
	_ =	sdelay $0x1  }
0x14f: {  	v0 =	vadd.f32 v0, v1;
	_ =	sdelay $0x1  }
0x150: {  	v0 =	vmax.f32 v0, $0.0e+00  }
0x151: {  	s6 =	simm.s32 $0x0;
	[tilespmem:s7+$0xC1D0] =	vst v0  }
0x152: {  	[hbm4b:s12+s6] =	stream.linear.scatter [tilespmem:s2], [sflag:$0x4], $0x4000, $0x38;
	[tilespmem:$0x10200] =	vst v63  }
0x153: {  	_ =	swait.ge [sflag:s23], $0x4000  }
0x154: {  	[sflag:s23] =	ssyncset.done $0x0  }
0x155: {  	[sflag:s23] =	ssyncadd.s32 $0xFFFFC000  }
0x156: {  	[tilespmem:s6], [sflag:$0x4] =	stream.linear.gather [hbm4b:s13+s6], $0x80, $0x38;
	[tilespmem:$0x10200] =	vst v63  }
0x157: {  	_ =	swait.ge [sflag:s23], $0x80  }
0x158: {  	[sflag:s23] =	ssyncset.done $0x0  }
0x159: {  	[sflag:s23] =	ssyncadd.s32 $0xFFFFFF80  }
0x15a: {  	[tilespmem:s25], [sflag:$0x1] =	stream.indirect.gather [hbm4b:s4+s24], $0x80, s6, s24, $0xb8;
	[tilespmem:$0x10200] =	vst v63  }
0x15b: {  	_ = 	snop  }
0x15c: {  	[tilespmem:s24], [sflag:$0x4] =	stream.linear.gather [hbm4b:s14+s6], $0x80, $0x38;
	[tilespmem:$0x10200] =	vst v63  }
0x15d: {  	_ =	swait.ge [sflag:s23], $0x80  }
0x15e: {  	[sflag:s23] =	ssyncset.done $0x0  }
0x15f: {  	[sflag:s23] =	ssyncadd.s32 $0xFFFFFF80  }
0x160: {  	[tilespmem:s26], [sflag:$0x2] =	stream.indirect.gather [hbm4b:s4+s24], $0x80, s24, s24, $0xb8;
	[tilespmem:$0x10200] =	vst v63  }
0x161: {  	_ = 	snop  }
0x162: {  	[tilespmem:s28], [sflag:$0x4] =	stream.linear.gather [hbm4b:s15+s6], $0x80, $0x38;
	[tilespmem:$0x10200] =	vst v63  }
0x163: {  	_ =	swait.ge [sflag:s23], $0x80  }
0x164: {  	[sflag:s23] =	ssyncset.done $0x0  }
0x165: {  	[sflag:s23] =	ssyncadd.s32 $0xFFFFFF80  }
0x166: {  	[tilespmem:s29], [sflag:$0x3] =	stream.indirect.gather [hbm4b:s4+s24], $0x80, s28, s24, $0xb8;
	[tilespmem:$0x10200] =	vst v63  }
0x167: {  	_ =	swait.ge [sflag:s30], $0x4000  }
0x168: {  	[sflag:s30] =	ssyncset.done $0x0  }
0x169: {  	[sflag:s30] =	ssyncadd.s32 $0xFFFFC000  }
0x16a: {  	_ =	swait.ge [sflag:s31], $0x4000  }
0x16b: {  	[sflag:s31] =	ssyncset.done $0x0  }
0x16c: {  	[sflag:s31] =	ssyncadd.s32 $0xFFFFC000  }
0x16d: {  	_ =	swait.ge [sflag:s0], $0x4000  }
0x16e: {  	[sflag:s0] =	ssyncset.done $0x0  }
0x16f: {  	s22 =	simm.s32 $0x0;
	[sflag:s0] =	ssyncadd.s32 $0xFFFFC000  }
0x170: {  	v0 =	vld [tilespmem:s22+$0x180]  }
0x171: {  	v1 =	vld [tilespmem:s22+$0x4180];
	_ =	sdelay $0x1  }
0x172: {  	v2 =	vld [tilespmem:s22+$0x8180];
	_ =	sdelay $0x1  }
0x173: {  	v3 =	vld [tilespmem:$0x10180]  }
0x174: {  	v0 =	vadd.f32 v1, v0;
	_ =	sdelay $0x1  }
0x175: {  	v0 =	vadd.f32 v2, v0  }
0x176: {  	v1 =	vld [tilespmem:s22+$0x190]  }
0x177: {  	v2 =	vld [tilespmem:s22+$0x4190];
	v0 =	vadd.f32 v3, v0;
	_ =	sdelay $0x1  }
0x178: {  	v3 =	vld [tilespmem:s22+$0x8190];
	v0 =	vmax.f32 v0, $0.0e+00  }
0x179: {  	[tilespmem:s22+$0xC180] =	vst v0  }
0x17a: {  	v0 =	vld [tilespmem:$0x10190]  }
0x17b: {  	v1 =	vadd.f32 v2, v1;
	_ =	sdelay $0x1  }
0x17c: {  	v1 =	vadd.f32 v3, v1  }
0x17d: {  	v2 =	vld [tilespmem:s22+$0x1A0]  }
0x17e: {  	v0 =	vadd.f32 v0, v1;
	v1 =	vld [tilespmem:s22+$0x41A0];
	_ =	sdelay $0x1  }
0x17f: {  	v3 =	vld [tilespmem:s22+$0x81A0];
	v0 =	vmax.f32 v0, $0.0e+00  }
0x180: {  	[tilespmem:s22+$0xC190] =	vst v0  }
0x181: {  	v0 =	vld [tilespmem:$0x101A0]  }
0x182: {  	v1 =	vadd.f32 v1, v2;
	_ =	sdelay $0x1  }
0x183: {  	v1 =	vadd.f32 v3, v1  }
0x184: {  	v2 =	vld [tilespmem:s22+$0x1B0]  }
0x185: {  	v0 =	vadd.f32 v0, v1;
	v1 =	vld [tilespmem:s22+$0x41B0];
	_ =	sdelay $0x1  }
0x186: {  	v3 =	vld [tilespmem:s22+$0x81B0];
	v0 =	vmax.f32 v0, $0.0e+00  }
0x187: {  	[tilespmem:s22+$0xC1A0] =	vst v0  }
0x188: {  	v0 =	vld [tilespmem:$0x101B0]  }
0x189: {  	v1 =	vadd.f32 v1, v2;
	_ =	sdelay $0x1  }
0x18a: {  	v1 =	vadd.f32 v3, v1  }
0x18b: {  	v2 =	vld [tilespmem:s22+$0x1C0]  }
0x18c: {  	v0 =	vadd.f32 v0, v1;
	v1 =	vld [tilespmem:s22+$0x41C0];
	_ =	sdelay $0x1  }
0x18d: {  	v3 =	vld [tilespmem:s22+$0x81C0];
	v0 =	vmax.f32 v0, $0.0e+00  }
0x18e: {  	[tilespmem:s22+$0xC1B0] =	vst v0  }
0x18f: {  	v0 =	vld [tilespmem:$0x101C0]  }
0x190: {  	v1 =	vadd.f32 v1, v2;
	_ =	sdelay $0x1  }
0x191: {  	v1 =	vadd.f32 v3, v1  }
0x192: {  	v2 =	vld [tilespmem:s22+$0x1D0]  }
0x193: {  	v3 =	vld [tilespmem:s22+$0x41D0];
	v0 =	vadd.f32 v0, v1;
	_ =	sdelay $0x1  }
0x194: {  	v4 =	vld [tilespmem:s22+$0x81D0];
	v0 =	vmax.f32 v0, $0.0e+00  }
0x195: {  	[tilespmem:s22+$0xC1C0] =	vst v0  }
0x196: {  	v1 =	vld [tilespmem:$0x101D0]  }
0x197: {  	v0 =	vadd.f32 v3, v2;
	_ =	sdelay $0x1  }
0x198: {  	s7 =	simm.s32 $0x80;
	v2 =	vadd.f32 v4, v0  }
0x199: {  	s6 =	simm.s32 $0x400;
	v0 =	vld [tilespmem:s7+$0x180]  }
.LBB2_6:
0x19a: {  	p0 =	sne.s32 s6, $0xFE00;
	v3 =	vld [tilespmem:s7+$0x4180];
	v1 =	vadd.f32 v1, v2;
	_ =	sdelay $0x1  }
0x19b: {  	v2 =	vld [tilespmem:s7+$0x8180];
	v1 =	vmax.f32 v1, $0.0e+00  }
0x19c: {  	[tilespmem:s22+$0xC1D0] =	vst v1;
	s22 =	smov.u32 s7  }
0x19d: {  	v1 =	vld [tilespmem:$0x10180]  }
0x19e: {  	v0 =	vadd.f32 v3, v0;
	_ =	sdelay $0x1  }
0x19f: {  	v0 =	vadd.f32 v2, v0  }
0x1a0: {  	v2 =	vld [tilespmem:s22+$0x190]  }
0x1a1: {  	v0 =	vadd.f32 v1, v0;
	v1 =	vld [tilespmem:s22+$0x4190];
	_ =	sdelay $0x1  }
0x1a2: {  	v0 =	vmax.f32 v0, $0.0e+00;
	v3 =	vld [tilespmem:s22+$0x8190]  }
0x1a3: {  	[tilespmem:s22+$0xC180] =	vst v0  }
0x1a4: {  	v0 =	vld [tilespmem:$0x10190]  }
0x1a5: {  	v1 =	vadd.f32 v1, v2;
	_ =	sdelay $0x1  }
0x1a6: {  	v1 =	vadd.f32 v3, v1  }
0x1a7: {  	v2 =	vld [tilespmem:s22+$0x1A0]  }
0x1a8: {  	v0 =	vadd.f32 v0, v1;
	v1 =	vld [tilespmem:s22+$0x41A0];
	_ =	sdelay $0x1  }
0x1a9: {  	v0 =	vmax.f32 v0, $0.0e+00;
	v3 =	vld [tilespmem:s22+$0x81A0]  }
0x1aa: {  	[tilespmem:s22+$0xC190] =	vst v0  }
0x1ab: {  	v0 =	vld [tilespmem:$0x101A0]  }
0x1ac: {  	v1 =	vadd.f32 v1, v2;
	_ =	sdelay $0x1  }
0x1ad: {  	v1 =	vadd.f32 v3, v1  }
0x1ae: {  	v2 =	vld [tilespmem:s22+$0x1B0]  }
0x1af: {  	v0 =	vadd.f32 v0, v1;
	v1 =	vld [tilespmem:s22+$0x41B0];
	_ =	sdelay $0x1  }
0x1b0: {  	v0 =	vmax.f32 v0, $0.0e+00;
	v3 =	vld [tilespmem:s22+$0x81B0]  }
0x1b1: {  	[tilespmem:s22+$0xC1A0] =	vst v0  }
0x1b2: {  	v0 =	vld [tilespmem:$0x101B0]  }
0x1b3: {  	v1 =	vadd.f32 v1, v2;
	_ =	sdelay $0x1  }
0x1b4: {  	v1 =	vadd.f32 v3, v1  }
0x1b5: {  	v2 =	vld [tilespmem:s22+$0x1C0]  }
0x1b6: {  	v0 =	vadd.f32 v0, v1;
	v1 =	vld [tilespmem:s22+$0x41C0];
	_ =	sdelay $0x1  }
0x1b7: {  	v0 =	vmax.f32 v0, $0.0e+00;
	v3 =	vld [tilespmem:s22+$0x81C0]  }
0x1b8: {  	[tilespmem:s22+$0xC1B0] =	vst v0  }
0x1b9: {  	v0 =	vld [tilespmem:$0x101C0]  }
0x1ba: {  	v1 =	vadd.f32 v1, v2;
	_ =	sdelay $0x1  }
0x1bb: {  	v1 =	vadd.f32 v3, v1  }
0x1bc: {  	v2 =	vld [tilespmem:s22+$0x1D0]  }
0x1bd: {  	v0 =	vadd.f32 v0, v1;
	v3 =	vld [tilespmem:s22+$0x41D0];
	_ =	sdelay $0x1  }
0x1be: {  	v0 =	vmax.f32 v0, $0.0e+00;
	v4 =	vld [tilespmem:s22+$0x81D0]  }
0x1bf: {  	[tilespmem:s22+$0xC1C0] =	vst v0  }
.Ltmp2:
0x1c0: {  	v1 =	vld [tilespmem:$0x101D0];
	(pc) =	sbr.rel @p0 .LBB2_6-.Ltmp2, $3  }
0x1c1: {  	v0 =	vadd.f32 v3, v2;
	_ =	sdelay $0x1  }
0x1c2: {  	s7 =	sshra.s32 s6, $0x2;
	v2 =	vadd.f32 v4, v0  }
0x1c3: {  	s6 =	sadd.s32 $0x200, s6;
	v0 =	vld [tilespmem:s7+$0x180]  }
0x1c4: {  	v3 =	vld [tilespmem:s7+$0x4180];
	v1 =	vadd.f32 v1, v2;
	_ =	sdelay $0x1  }
0x1c5: {  	v2 =	vld [tilespmem:s7+$0x8180];
	v1 =	vmax.f32 v1, $0.0e+00  }
0x1c6: {  	[tilespmem:s22+$0xC1D0] =	vst v1  }
0x1c7: {  	v1 =	vld [tilespmem:$0x10180]  }
0x1c8: {  	v0 =	vadd.f32 v3, v0;
	_ =	sdelay $0x1  }
0x1c9: {  	v0 =	vadd.f32 v2, v0  }
0x1ca: {  	v2 =	vld [tilespmem:s7+$0x190]  }
0x1cb: {  	v0 =	vadd.f32 v1, v0;
	v1 =	vld [tilespmem:s7+$0x4190];
	_ =	sdelay $0x1  }
0x1cc: {  	v3 =	vld [tilespmem:s7+$0x8190];
	v0 =	vmax.f32 v0, $0.0e+00  }
0x1cd: {  	[tilespmem:s7+$0xC180] =	vst v0  }
0x1ce: {  	v0 =	vld [tilespmem:$0x10190]  }
0x1cf: {  	v1 =	vadd.f32 v1, v2;
	_ =	sdelay $0x1  }
0x1d0: {  	v1 =	vadd.f32 v3, v1  }
0x1d1: {  	v2 =	vld [tilespmem:s7+$0x1A0]  }
0x1d2: {  	v0 =	vadd.f32 v0, v1;
	v1 =	vld [tilespmem:s7+$0x41A0];
	_ =	sdelay $0x1  }
0x1d3: {  	v3 =	vld [tilespmem:s7+$0x81A0];
	v0 =	vmax.f32 v0, $0.0e+00  }
0x1d4: {  	[tilespmem:s7+$0xC190] =	vst v0  }
0x1d5: {  	v0 =	vld [tilespmem:$0x101A0]  }
0x1d6: {  	v1 =	vadd.f32 v1, v2;
	_ =	sdelay $0x1  }
0x1d7: {  	v1 =	vadd.f32 v3, v1  }
0x1d8: {  	v2 =	vld [tilespmem:s7+$0x1B0]  }
0x1d9: {  	v0 =	vadd.f32 v0, v1;
	v1 =	vld [tilespmem:s7+$0x41B0];
	_ =	sdelay $0x1  }
0x1da: {  	v3 =	vld [tilespmem:s7+$0x81B0];
	v0 =	vmax.f32 v0, $0.0e+00  }
0x1db: {  	[tilespmem:s7+$0xC1A0] =	vst v0  }
0x1dc: {  	v0 =	vld [tilespmem:$0x101B0]  }
0x1dd: {  	v1 =	vadd.f32 v1, v2;
	_ =	sdelay $0x1  }
0x1de: {  	v1 =	vadd.f32 v3, v1  }
0x1df: {  	v2 =	vld [tilespmem:s7+$0x1C0]  }
0x1e0: {  	v0 =	vadd.f32 v0, v1;
	v1 =	vld [tilespmem:s7+$0x41C0];
	_ =	sdelay $0x1  }
0x1e1: {  	v3 =	vld [tilespmem:s7+$0x81C0];
	v0 =	vmax.f32 v0, $0.0e+00  }
0x1e2: {  	[tilespmem:s7+$0xC1B0] =	vst v0  }
0x1e3: {  	v0 =	vld [tilespmem:$0x101C0]  }
0x1e4: {  	v1 =	vadd.f32 v1, v2;
	_ =	sdelay $0x1  }
0x1e5: {  	v1 =	vadd.f32 v3, v1  }
0x1e6: {  	v2 =	vld [tilespmem:s7+$0x1D0]  }
0x1e7: {  	v0 =	vadd.f32 v0, v1;
	v1 =	vld [tilespmem:s7+$0x41D0];
	_ =	sdelay $0x1  }
0x1e8: {  	v3 =	vld [tilespmem:s7+$0x81D0];
	v0 =	vmax.f32 v0, $0.0e+00  }
0x1e9: {  	[tilespmem:s7+$0xC1C0] =	vst v0  }
0x1ea: {  	v0 =	vld [tilespmem:$0x101D0]  }
0x1eb: {  	v1 =	vadd.f32 v1, v2;
	_ =	sdelay $0x1  }
0x1ec: {  	v1 =	vadd.f32 v3, v1;
	_ =	sdelay $0x1  }
0x1ed: {  	v0 =	vadd.f32 v0, v1;
	_ =	sdelay $0x1  }
0x1ee: {  	v0 =	vmax.f32 v0, $0.0e+00  }
0x1ef: {  	s6 =	simm.s32 $0x0;
	[tilespmem:s7+$0xC1D0] =	vst v0  }
0x1f0: {  	[hbm4b:s16+s6] =	stream.linear.scatter [tilespmem:s2], [sflag:$0x4], $0x4000, $0x38;
	[tilespmem:$0x10200] =	vst v63  }
0x1f1: {  	_ =	swait.ge [sflag:s23], $0x4000  }
0x1f2: {  	[sflag:s23] =	ssyncset.done $0x0  }
0x1f3: {  	[sflag:s23] =	ssyncadd.s32 $0xFFFFC000  }
0x1f4: {  	[tilespmem:s6], [sflag:$0x4] =	stream.linear.gather [hbm4b:s17+s6], $0x80, $0x38;
	[tilespmem:$0x10200] =	vst v63  }
0x1f5: {  	_ =	swait.ge [sflag:s23], $0x80  }
0x1f6: {  	[sflag:s23] =	ssyncset.done $0x0  }
0x1f7: {  	[sflag:s23] =	ssyncadd.s32 $0xFFFFFF80  }
0x1f8: {  	[tilespmem:s25], [sflag:$0x1] =	stream.indirect.gather [hbm4b:s4+s24], $0x80, s6, s24, $0xb8;
	[tilespmem:$0x10200] =	vst v63  }
0x1f9: {  	_ = 	snop  }
0x1fa: {  	[tilespmem:s24], [sflag:$0x4] =	stream.linear.gather [hbm4b:s18+s6], $0x80, $0x38;
	[tilespmem:$0x10200] =	vst v63  }
0x1fb: {  	_ =	swait.ge [sflag:s23], $0x80  }
0x1fc: {  	[sflag:s23] =	ssyncset.done $0x0  }
0x1fd: {  	[sflag:s23] =	ssyncadd.s32 $0xFFFFFF80  }
0x1fe: {  	[tilespmem:s26], [sflag:$0x2] =	stream.indirect.gather [hbm4b:s4+s24], $0x80, s24, s24, $0xb8;
	[tilespmem:$0x10200] =	vst v63  }
0x1ff: {  	_ = 	snop  }
0x200: {  	[tilespmem:s28], [sflag:$0x4] =	stream.linear.gather [hbm4b:s19+s6], $0x80, $0x38;
	[tilespmem:$0x10200] =	vst v63  }
0x201: {  	_ =	swait.ge [sflag:s23], $0x80  }
0x202: {  	[sflag:s23] =	ssyncset.done $0x0  }
0x203: {  	[sflag:s23] =	ssyncadd.s32 $0xFFFFFF80  }
0x204: {  	[tilespmem:s29], [sflag:$0x3] =	stream.indirect.gather [hbm4b:s4+s24], $0x80, s28, s24, $0xb8;
	[tilespmem:$0x10200] =	vst v63  }
0x205: {  	_ =	swait.ge [sflag:s30], $0x4000  }
0x206: {  	[sflag:s30] =	ssyncset.done $0x0  }
0x207: {  	[sflag:s30] =	ssyncadd.s32 $0xFFFFC000  }
0x208: {  	_ =	swait.ge [sflag:s31], $0x4000  }
0x209: {  	[sflag:s31] =	ssyncset.done $0x0  }
0x20a: {  	[sflag:s31] =	ssyncadd.s32 $0xFFFFC000  }
0x20b: {  	_ =	swait.ge [sflag:s0], $0x4000  }
0x20c: {  	[sflag:s0] =	ssyncset.done $0x0  }
0x20d: {  	s22 =	simm.s32 $0x0;
	[sflag:s0] =	ssyncadd.s32 $0xFFFFC000  }
0x20e: {  	v0 =	vld [tilespmem:s22+$0x180]  }
0x20f: {  	v1 =	vld [tilespmem:s22+$0x4180];
	_ =	sdelay $0x1  }
0x210: {  	v2 =	vld [tilespmem:s22+$0x8180];
	_ =	sdelay $0x1  }
0x211: {  	v3 =	vld [tilespmem:$0x10180]  }
0x212: {  	v0 =	vadd.f32 v1, v0;
	_ =	sdelay $0x1  }
0x213: {  	v0 =	vadd.f32 v2, v0  }
0x214: {  	v1 =	vld [tilespmem:s22+$0x190]  }
0x215: {  	v2 =	vld [tilespmem:s22+$0x4190];
	v0 =	vadd.f32 v3, v0;
	_ =	sdelay $0x1  }
0x216: {  	v3 =	vld [tilespmem:s22+$0x8190];
	v0 =	vmax.f32 v0, $0.0e+00  }
0x217: {  	[tilespmem:s22+$0xC180] =	vst v0  }
0x218: {  	v0 =	vld [tilespmem:$0x10190]  }
0x219: {  	v1 =	vadd.f32 v2, v1;
	_ =	sdelay $0x1  }
0x21a: {  	v1 =	vadd.f32 v3, v1  }
0x21b: {  	v2 =	vld [tilespmem:s22+$0x1A0]  }
0x21c: {  	v0 =	vadd.f32 v0, v1;
	v1 =	vld [tilespmem:s22+$0x41A0];
	_ =	sdelay $0x1  }
0x21d: {  	v3 =	vld [tilespmem:s22+$0x81A0];
	v0 =	vmax.f32 v0, $0.0e+00  }
0x21e: {  	[tilespmem:s22+$0xC190] =	vst v0  }
0x21f: {  	v0 =	vld [tilespmem:$0x101A0]  }
0x220: {  	v1 =	vadd.f32 v1, v2;
	_ =	sdelay $0x1  }
0x221: {  	v1 =	vadd.f32 v3, v1  }
0x222: {  	v2 =	vld [tilespmem:s22+$0x1B0]  }
0x223: {  	v0 =	vadd.f32 v0, v1;
	v1 =	vld [tilespmem:s22+$0x41B0];
	_ =	sdelay $0x1  }
0x224: {  	v3 =	vld [tilespmem:s22+$0x81B0];
	v0 =	vmax.f32 v0, $0.0e+00  }
0x225: {  	[tilespmem:s22+$0xC1A0] =	vst v0  }
0x226: {  	v0 =	vld [tilespmem:$0x101B0]  }
0x227: {  	v1 =	vadd.f32 v1, v2;
	_ =	sdelay $0x1  }
0x228: {  	v1 =	vadd.f32 v3, v1  }
0x229: {  	v2 =	vld [tilespmem:s22+$0x1C0]  }
0x22a: {  	v0 =	vadd.f32 v0, v1;
	v1 =	vld [tilespmem:s22+$0x41C0];
	_ =	sdelay $0x1  }
0x22b: {  	v3 =	vld [tilespmem:s22+$0x81C0];
	v0 =	vmax.f32 v0, $0.0e+00  }
0x22c: {  	[tilespmem:s22+$0xC1B0] =	vst v0  }
0x22d: {  	v0 =	vld [tilespmem:$0x101C0]  }
0x22e: {  	v1 =	vadd.f32 v1, v2;
	_ =	sdelay $0x1  }
0x22f: {  	v1 =	vadd.f32 v3, v1  }
0x230: {  	v2 =	vld [tilespmem:s22+$0x1D0]  }
0x231: {  	v3 =	vld [tilespmem:s22+$0x41D0];
	v0 =	vadd.f32 v0, v1;
	_ =	sdelay $0x1  }
0x232: {  	v4 =	vld [tilespmem:s22+$0x81D0];
	v0 =	vmax.f32 v0, $0.0e+00  }
0x233: {  	[tilespmem:s22+$0xC1C0] =	vst v0  }
0x234: {  	v1 =	vld [tilespmem:$0x101D0]  }
0x235: {  	v0 =	vadd.f32 v3, v2;
	_ =	sdelay $0x1  }
0x236: {  	s7 =	simm.s32 $0x80;
	v2 =	vadd.f32 v4, v0  }
0x237: {  	s6 =	simm.s32 $0x400;
	v0 =	vld [tilespmem:s7+$0x180]  }
.LBB2_8:
0x238: {  	p0 =	sne.s32 s6, $0xFE00;
	v3 =	vld [tilespmem:s7+$0x4180];
	v1 =	vadd.f32 v1, v2;
	_ =	sdelay $0x1  }
0x239: {  	v2 =	vld [tilespmem:s7+$0x8180];
	v1 =	vmax.f32 v1, $0.0e+00  }
0x23a: {  	[tilespmem:s22+$0xC1D0] =	vst v1;
	s22 =	smov.u32 s7  }
0x23b: {  	v1 =	vld [tilespmem:$0x10180]  }
0x23c: {  	v0 =	vadd.f32 v3, v0;
	_ =	sdelay $0x1  }
0x23d: {  	v0 =	vadd.f32 v2, v0  }
0x23e: {  	v2 =	vld [tilespmem:s22+$0x190]  }
0x23f: {  	v0 =	vadd.f32 v1, v0;
	v1 =	vld [tilespmem:s22+$0x4190];
	_ =	sdelay $0x1  }
0x240: {  	v0 =	vmax.f32 v0, $0.0e+00;
	v3 =	vld [tilespmem:s22+$0x8190]  }
0x241: {  	[tilespmem:s22+$0xC180] =	vst v0  }
0x242: {  	v0 =	vld [tilespmem:$0x10190]  }
0x243: {  	v1 =	vadd.f32 v1, v2;
	_ =	sdelay $0x1  }
0x244: {  	v1 =	vadd.f32 v3, v1  }
0x245: {  	v2 =	vld [tilespmem:s22+$0x1A0]  }
0x246: {  	v0 =	vadd.f32 v0, v1;
	v1 =	vld [tilespmem:s22+$0x41A0];
	_ =	sdelay $0x1  }
0x247: {  	v0 =	vmax.f32 v0, $0.0e+00;
	v3 =	vld [tilespmem:s22+$0x81A0]  }
0x248: {  	[tilespmem:s22+$0xC190] =	vst v0  }
0x249: {  	v0 =	vld [tilespmem:$0x101A0]  }
0x24a: {  	v1 =	vadd.f32 v1, v2;
	_ =	sdelay $0x1  }
0x24b: {  	v1 =	vadd.f32 v3, v1  }
0x24c: {  	v2 =	vld [tilespmem:s22+$0x1B0]  }
0x24d: {  	v0 =	vadd.f32 v0, v1;
	v1 =	vld [tilespmem:s22+$0x41B0];
	_ =	sdelay $0x1  }
0x24e: {  	v0 =	vmax.f32 v0, $0.0e+00;
	v3 =	vld [tilespmem:s22+$0x81B0]  }
0x24f: {  	[tilespmem:s22+$0xC1A0] =	vst v0  }
0x250: {  	v0 =	vld [tilespmem:$0x101B0]  }
0x251: {  	v1 =	vadd.f32 v1, v2;
	_ =	sdelay $0x1  }
0x252: {  	v1 =	vadd.f32 v3, v1  }
0x253: {  	v2 =	vld [tilespmem:s22+$0x1C0]  }
0x254: {  	v0 =	vadd.f32 v0, v1;
	v1 =	vld [tilespmem:s22+$0x41C0];
	_ =	sdelay $0x1  }
0x255: {  	v0 =	vmax.f32 v0, $0.0e+00;
	v3 =	vld [tilespmem:s22+$0x81C0]  }
0x256: {  	[tilespmem:s22+$0xC1B0] =	vst v0  }
0x257: {  	v0 =	vld [tilespmem:$0x101C0]  }
0x258: {  	v1 =	vadd.f32 v1, v2;
	_ =	sdelay $0x1  }
0x259: {  	v1 =	vadd.f32 v3, v1  }
0x25a: {  	v2 =	vld [tilespmem:s22+$0x1D0]  }
0x25b: {  	v0 =	vadd.f32 v0, v1;
	v3 =	vld [tilespmem:s22+$0x41D0];
	_ =	sdelay $0x1  }
0x25c: {  	v0 =	vmax.f32 v0, $0.0e+00;
	v4 =	vld [tilespmem:s22+$0x81D0]  }
0x25d: {  	[tilespmem:s22+$0xC1C0] =	vst v0  }
.Ltmp3:
0x25e: {  	v1 =	vld [tilespmem:$0x101D0];
	(pc) =	sbr.rel @p0 .LBB2_8-.Ltmp3, $3  }
0x25f: {  	v0 =	vadd.f32 v3, v2;
	_ =	sdelay $0x1  }
0x260: {  	s7 =	sshra.s32 s6, $0x2;
	v2 =	vadd.f32 v4, v0  }
0x261: {  	s6 =	sadd.s32 $0x200, s6;
	v0 =	vld [tilespmem:s7+$0x180]  }
0x262: {  	v3 =	vld [tilespmem:s7+$0x4180];
	v1 =	vadd.f32 v1, v2;
	_ =	sdelay $0x1  }
0x263: {  	v48 =	vld [tilespmem:s7+$0x8180];
	v1 =	vmax.f32 v1, $0.0e+00  }
0x264: {  	[tilespmem:s22+$0xC1D0] =	vst v1  }
0x265: {  	v1 =	vld [tilespmem:$0x10180]  }
0x266: {  	v0 =	vadd.f32 v3, v0;
	_ =	sdelay $0x1  }
0x267: {  	v0 =	vadd.f32 v48, v0  }
0x268: {  	v49 =	vld [tilespmem:s7+$0x190]  }
0x269: {  	v50 =	vld [tilespmem:s7+$0x4190];
	v0 =	vadd.f32 v1, v0;
	_ =	sdelay $0x1  }
0x26a: {  	v51 =	vld [tilespmem:s7+$0x8190];
	v0 =	vmax.f32 v0, $0.0e+00  }
0x26b: {  	[tilespmem:s7+$0xC180] =	vst v0  }
0x26c: {  	v0 =	vld [tilespmem:$0x10190]  }
0x26d: {  	v1 =	vadd.f32 v50, v49;
	_ =	sdelay $0x1  }
0x26e: {  	v1 =	vadd.f32 v51, v1  }
0x26f: {  	v52 =	vld [tilespmem:s7+$0x1A0]  }
0x270: {  	v53 =	vld [tilespmem:s7+$0x41A0];
	v0 =	vadd.f32 v0, v1;
	_ =	sdelay $0x1  }
0x271: {  	v54 =	vld [tilespmem:s7+$0x81A0];
	v0 =	vmax.f32 v0, $0.0e+00  }
0x272: {  	[tilespmem:s7+$0xC190] =	vst v0  }
0x273: {  	v0 =	vld [tilespmem:$0x101A0]  }
0x274: {  	v1 =	vadd.f32 v53, v52;
	_ =	sdelay $0x1  }
0x275: {  	v1 =	vadd.f32 v54, v1  }
0x276: {  	v55 =	vld [tilespmem:s7+$0x1B0]  }
0x277: {  	v56 =	vld [tilespmem:s7+$0x41B0];
	v0 =	vadd.f32 v0, v1;
	_ =	sdelay $0x1  }
0x278: {  	v57 =	vld [tilespmem:s7+$0x81B0];
	v0 =	vmax.f32 v0, $0.0e+00  }
0x279: {  	[tilespmem:s7+$0xC1A0] =	vst v0  }
0x27a: {  	v0 =	vld [tilespmem:$0x101B0]  }
0x27b: {  	v1 =	vadd.f32 v56, v55;
	_ =	sdelay $0x1  }
0x27c: {  	v1 =	vadd.f32 v57, v1  }
0x27d: {  	v58 =	vld [tilespmem:s7+$0x1C0]  }
0x27e: {  	v59 =	vld [tilespmem:s7+$0x41C0];
	v0 =	vadd.f32 v0, v1;
	_ =	sdelay $0x1  }
0x27f: {  	v60 =	vld [tilespmem:s7+$0x81C0];
	v0 =	vmax.f32 v0, $0.0e+00  }
0x280: {  	[tilespmem:s7+$0xC1B0] =	vst v0  }
0x281: {  	v0 =	vld [tilespmem:$0x101C0]  }
0x282: {  	v1 =	vadd.f32 v59, v58;
	_ =	sdelay $0x1  }
0x283: {  	v1 =	vadd.f32 v60, v1  }
0x284: {  	v61 =	vld [tilespmem:s7+$0x1D0]  }
0x285: {  	v62 =	vld [tilespmem:s7+$0x41D0];
	v0 =	vadd.f32 v0, v1;
	_ =	sdelay $0x1  }
0x286: {  	v63 =	vld [tilespmem:s7+$0x81D0];
	v0 =	vmax.f32 v0, $0.0e+00  }
0x287: {  	[tilespmem:s7+$0xC1C0] =	vst v0  }
0x288: {  	v0 =	vld [tilespmem:$0x101D0]  }
0x289: {  	v1 =	vadd.f32 v62, v61;
	_ =	sdelay $0x1  }
0x28a: {  	v1 =	vadd.f32 v63, v1;
	_ =	sdelay $0x1  }
0x28b: {  	v0 =	vadd.f32 v0, v1  }
0x28c: {  	s1 =	sadd.s32 $0x1, s1  }
0x28d: {  	p0 =	sne.s32 s1, s21;
	v0 =	vmax.f32 v0, $0.0e+00  }
.Ltmp4:
0x28e: {  	[tilespmem:s7+$0xC1D0] =	vst v0;
	(pc) =	sbr.rel @p0 .LBB2_1-.Ltmp4, $4  }
0x28f: {  	[hbm4b:s20+s3] =	stream.linear.scatter [tilespmem:s2], [sflag:$0x4], $0x4000, $0x38;
	[tilespmem:$0x10200] =	vst v63  }
0x290: {  	_ =	swait.ge [sflag:s23], $0x4000  }
0x291: {  	[sflag:s23] =	ssyncset.done $0x0  }
0x292: {  	[sflag:s23] =	ssyncadd.s32 $0xFFFFC000  }
0x293: {  	_ =	sfence.sel $0x180000  }
0x294: {  	[bflag:$0x0] =	sbarrier.arrive $0xFFFF  }
0x295: {  	_ =	strace $0x90000047  }
0x296: {  	s0 =	stileid.u32;
	[bflag:$0x2] =	sbarrier.arrive $0xFFFF  }
0x297: {  	p0 =	sne.s32 s0, $0x0;
	s0 =	rddreg [dreg:$0x3]  }
0x298: {  	s0 =	sadd.s32 @!p0 $0x100000, s0  }
0x299: {  	[sflag:s0] =	ssyncadd.tile.s32 @!p0 $0x1;
	_ =	shalt  }
.Lfunc_end2:
_tile_overlayer_lowered:
.L_overlay_start_2:
0x29a: {  	(tag) =	ssettag $0x2  }
0x29b: {  	s0 =	rddreg [dreg:$0x0];
	s2 =	stileid.u32  }
0x29c: {  	s1 =	rddreg [dreg:$0x1];
	p0 =	sne.s32 s2, $0x0  }
0x29d: {  	s3 =	rddreg [dreg:$0x2];
	[bflag:$0x3] =	sbarrier.arrive $0xFFFF;
	s2 =	simm.s32 @!p0 $0x1C04  }
0x29e: {  	[timem:s3], [sflag:s2] =	dma.local @!p0 [hbm:s0], s1  }
0x29f: {  	s0 =	simm.s32 @!p0 $0x4  }
0x2a0: {  	_ =	swait.ge @!p0 [sflag:s0], s1  }
0x2a1: {  	s1 =	ssub.s32 @!p0 $0x0, s1;
	[sflag:s0] =	ssyncset.done @!p0 $0x0  }
0x2a2: {  	[sflag:s0] =	ssyncadd.s32 @!p0 s1  }
0x2a3: {  	[bflag:$0x3] =	sbarrier.arrive $0xFFFF  }
0x2a4: {  	_ =	shalt  }

</sc_bundles>
